<compile_context>
chip_gen: v7x
topology: tpu7x:2x2x1
jax: 0.10.2.dev20260603
libtpu: 0.0.44.dev20260713+nightly
codegen_flags: <defaults>
</compile_context>

<pallas_src>
import functools

import jax
import jax.numpy as jnp
from jax import lax
from jax.experimental import pallas as pl
from jax.experimental.pallas import tpu as pltpu
from jax.experimental.pallas import tpu_sc as plsc

CUTOFF = 10.0
CUTOFF_SR = 2.0
KEHALF = 7.199822675975274

NC = 2
NS = 16
L = 16
NW = NC * NS

CHUNK = 2000
PIECE = 1600


def _rsqrt(x):
  i = lax.bitcast_convert_type(x, jnp.int32)
  i = jnp.int32(0x5F3759DF) - lax.shift_right_logical(i, 1)
  y = lax.bitcast_convert_type(i, jnp.float32)
  for _ in range(2):
    y = y * (1.5 - 0.5 * x * y * y)
  return y


@functools.lru_cache(maxsize=None)
def _build(n_nodes, n_edges, chunk):
  n_work = n_edges // NW
  n_chunks = n_work // chunk
  stage = n_nodes // NS
  groups = chunk // L

  mesh = plsc.VectorSubcoreMesh(core_axis_name="c", subcore_axis_name="s")

  def body(d_hbm, vx_hbm, vy_hbm, vz_hbm, iu_hbm, iv_hbm,
           qx_hbm, yz_hbm,
           out_hbm,
           qx_sh, yz_sh,
           i20, d0, vx0, vy0, vz0,
           g10, g20, o0,
           si0, sn0, sg0, so0,
           i21, d1, vx1, vy1, vz1,
           g11, g21, o1,
           si1, sn1, sg1, so1):
    cid = lax.axis_index("c")
    sid = lax.axis_index("s")
    wid = cid * NS + sid

    sets = [
        dict(i2=i20, d=d0, vx=vx0, vy=vy0, vz=vz0,
             g1=g10, g2=g20, out=o0,
             si=si0, sn=sn0, sg=sg0, so=so0),
        dict(i2=i21, d=d1, vx=vx1, vy=vy1, vz=vz1,
             g1=g11, g2=g21, out=o1,
             si=si1, sn=sn1, sg=sg1, so=so1),
    ]

    n_piece = stage // PIECE
    for hbm, sh, bounce in ((qx_hbm, qx_sh, g10), (yz_hbm, yz_sh, g20)):
      for p in range(n_piece):
        off = sid * stage + p * PIECE
        pltpu.sync_copy(hbm.at[pl.ds(off, PIECE)], bounce.at[pl.ds(0, PIECE)])
        pltpu.sync_copy(bounce.at[pl.ds(0, PIECE)], sh.at[pl.ds(off, PIECE)])
    plsc.subcore_barrier()

    def esl(j):
      return pl.ds(wid * n_work + j * chunk, chunk)

    drain_sl = pl.ds(0, chunk)

    def fire_lin(s, j):
      sl = esl(j)
      pltpu.async_copy(iu_hbm.at[sl], s["i2"].at[pl.ds(0, chunk)], s["si"])
      pltpu.async_copy(iv_hbm.at[sl], s["i2"].at[pl.ds(chunk, chunk)], s["si"])
      pltpu.async_copy(d_hbm.at[sl], s["d"], s["sn"])
      pltpu.async_copy(vx_hbm.at[sl], s["vx"], s["sn"])
      pltpu.async_copy(vy_hbm.at[sl], s["vy"], s["sn"])
      pltpu.async_copy(vz_hbm.at[sl], s["vz"], s["sn"])

    def drain_idx(s):
      pltpu.make_async_copy(iu_hbm.at[pl.ds(0, 2 * chunk)], s["i2"],
                            s["si"]).wait()

    def drain_in(s):
      for r in ("d", "vx", "vy", "vz"):
        pltpu.make_async_copy(d_hbm.at[drain_sl], s[r], s["sn"]).wait()

    def fire_gath(s):
      pltpu.async_copy(qx_sh.at[s["i2"]], s["g1"], s["sg"])
      pltpu.async_copy(yz_sh.at[s["i2"]], s["g2"], s["sg"])

    def drain_gath(s):
      for r in ("g1", "g2"):
        pltpu.make_async_copy(iu_hbm.at[pl.ds(0, 2 * chunk)], s[r],
                              s["sg"]).wait()

    def fire_out(s, j):
      pltpu.async_copy(s["out"], out_hbm.at[esl(j)], s["so"])

    def drain_out(s):
      pltpu.make_async_copy(d_hbm.at[drain_sl], s["out"], s["so"]).wait()

    def comp(s):
      d_v, vx_v, vy_v, vz_v = s["d"], s["vx"], s["vy"], s["vz"]
      g1_v, g2_v = s["g1"], s["g2"]
      out_v = s["out"]

      hi_mask = jnp.full((L,), -65536, jnp.int32)

      @plsc.parallel_loop(0, groups, 1, unroll=2)
      def compute(i):
        base = i * L
        d = d_v[pl.ds(base, L)]
        vx = vx_v[pl.ds(base, L)]
        vy = vy_v[pl.ds(base, L)]
        vz = vz_v[pl.ds(base, L)]
        w1u = g1_v[pl.ds(base, L)]
        w2u = g2_v[pl.ds(base, L)]
        qu = lax.bitcast_convert_type(w1u & hi_mask, jnp.float32)
        mux = lax.bitcast_convert_type(lax.shift_left(w1u, 16), jnp.float32)
        muy = lax.bitcast_convert_type(w2u & hi_mask, jnp.float32)
        muz = lax.bitcast_convert_type(lax.shift_left(w2u, 16), jnp.float32)
        w1v = g1_v[pl.ds(chunk + base, L)]
        w2v = g2_v[pl.ds(chunk + base, L)]
        qv = lax.bitcast_convert_type(w1v & hi_mask, jnp.float32)
        mvx = lax.bitcast_convert_type(lax.shift_left(w1v, 16), jnp.float32)
        mvy = lax.bitcast_convert_type(w2v & hi_mask, jnp.float32)
        mvz = lax.bitcast_convert_type(lax.shift_left(w2v, 16), jnp.float32)

        x = jnp.clip(d * (1.0 / CUTOFF_SR), 0.0, 1.0)
        x2 = x * x
        x3 = x2 * x
        sw = 1.0 - (6.0 * x2 - 15.0 * x + 10.0) * x3
        inv_d = 1.0 / d
        chi = sw * _rsqrt(d * d + 1.0) + (1.0 - sw) * inv_d
        chi2 = chi * chi
        chi3 = chi2 * chi

        s1 = 1.0 / CUTOFF
        s2 = s1 * s1
        s3 = s2 * s1

        dot_uv = (vx * mvx + vy * mvy + vz * mvz) * inv_d
        dot_vu = (vx * mux + vy * muy + vz * muz) * inv_d
        mumu = mux * mvx + muy * mvy + muz * mvz

        e = qu * qv * (chi - s1)
        e = e + 2.0 * qu * dot_uv * (chi2 - s2)
        e = e + (mumu - 3.0 * dot_uv * dot_vu) * (chi3 - s3)
        e = KEHALF * e
        e = jnp.where(d <= CUTOFF, e, jnp.zeros_like(e))
        out_v[pl.ds(base, L)] = e

    fire_lin(sets[0], 0)
    drain_idx(sets[0])
    fire_gath(sets[0])
    fire_lin(sets[1], 1)

    def pair(jj, _):
      for p in (0, 1):
        s = sets[p]
        t = sets[1 - p]
        j = 2 * jj + p

        @pl.when(j + 1 < n_chunks)
        def _():
          drain_idx(t)
          fire_gath(t)

        drain_in(s)
        drain_gath(s)

        @pl.when(j >= 2)
        def _():
          drain_out(s)

        comp(s)
        fire_out(s, j)

        @pl.when(j + 2 < n_chunks)
        def _():
          fire_lin(s, j + 2)
      return ()

    lax.fori_loop(0, n_chunks // 2, pair, (), unroll=False)
    drain_out(sets[0])
    drain_out(sets[1])

  vm_f = pltpu.VMEM((chunk,), jnp.float32)
  vm_f2 = pltpu.VMEM((2 * chunk,), jnp.float32)
  vm_i2 = pltpu.VMEM((2 * chunk,), jnp.int32)
  sem = pltpu.SemaphoreType.DMA
  one_set = ([vm_i2] + [vm_f] * 4 + [vm_i2, vm_i2] + [vm_f]
             + [sem] * 4)

  return pl.kernel(
      body,
      out_type=jax.ShapeDtypeStruct((n_edges,), jnp.float32),
      mesh=mesh,
      scratch_types=(
          [pltpu.VMEM_SHARED((n_nodes,), jnp.int32),
           pltpu.VMEM_SHARED((n_nodes,), jnp.int32)]
          + one_set + one_set
      ),
  )


def kernel(distances_uv, atomic_charges, idx_u, idx_v, vectors_uv,
           atomic_dipoles):
  n_edges = distances_uv.shape[0]
  n_nodes = atomic_charges.shape[0]

  n_pad = (-n_nodes) % (NS * PIECE)
  q = atomic_charges
  dip = atomic_dipoles
  if n_pad:
    q = jnp.pad(q, (0, n_pad))
    dip = jnp.pad(dip, ((0, n_pad), (0, 0)))
  def b16(a):
    return lax.bitcast_convert_type(a.astype(jnp.bfloat16),
                                    jnp.uint16).astype(jnp.uint32)

  qx = ((b16(q) << 16) | b16(dip[:, 0])).astype(jnp.int32)
  yz = ((b16(dip[:, 1]) << 16) | b16(dip[:, 2])).astype(jnp.int32)

  iu = idx_u.astype(jnp.int32)
  iv = idx_v.astype(jnp.int32)
  d = distances_uv
  vec = vectors_uv

  e_pad = (-n_edges) % (NW * CHUNK * 2)
  if e_pad:
    d = jnp.pad(d, (0, e_pad), constant_values=1.0)
    vec = jnp.pad(vec, ((0, e_pad), (0, 0)))
    iu = jnp.pad(iu, (0, e_pad))
    iv = jnp.pad(iv, (0, e_pad))

  vec_t = vec.T
  vx = vec_t[0]
  vy = vec_t[1]
  vz = vec_t[2]

  fn = _build(q.shape[0], d.shape[0], CHUNK)
  out = fn(d, vx, vy, vz, iu, iv, qx, yz)
  return out[:n_edges] if e_pad else out

# --- scband reference (transcript-rebuilt; emitter-appended) ---
"""Pipeline reference for scband-damped-electrostatics-shifted-potential-55078660604624 (READ-ONLY COPY).

The authoritative reference and input builder live on the scoring server;
editing this copy changes nothing except your own understanding.
"""

import jax, jax.numpy as jnp
import numpy as np

CUTOFF = 10.0
CUTOFF_SR = 2.0
KEHALF = 7.199822675975274
N_NODES = 100000
N_EDGES = 6400000


def switch_fn(d):
    # smoothstep-based damping switch: 1 at d=0, 0 at d>=cutoff_short_range
    x = jnp.clip(d / CUTOFF_SR, 0.0, 1.0)
    return 1.0 - (6.0 * x ** 5 - 15.0 * x ** 4 + 10.0 * x ** 3)


def setup_inputs(seed: int = 0) -> dict:
    key = jax.random.key(seed)
    k1, k2, k3, k4, k5, k6 = jax.random.split(key, 6)
    distances_uv = jax.random.uniform(k1, (N_EDGES,), minval=0.5, maxval=12.0, dtype=jnp.float32)
    atomic_charges = jax.random.normal(k2, (N_NODES,), dtype=jnp.float32) * 0.5
    idx_u = jax.random.randint(k3, (N_EDGES,), 0, N_NODES, dtype=jnp.int64) if jax.config.jax_enable_x64 else jax.random.randint(k3, (N_EDGES,), 0, N_NODES)
    idx_v = jax.random.randint(k4, (N_EDGES,), 0, N_NODES)
    vectors_uv = jax.random.normal(k5, (N_EDGES, 3), dtype=jnp.float32)
    atomic_dipoles = jax.random.normal(k6, (N_NODES, 3), dtype=jnp.float32) * 0.1
    return {
        'distances_uv': distances_uv,
        'atomic_charges': atomic_charges,
        'idx_u': idx_u,
        'idx_v': idx_v,
        'vectors_uv': vectors_uv,
        'atomic_dipoles': atomic_dipoles,
    }


def reference(distances_uv, atomic_charges, idx_u, idx_v, vectors_uv, atomic_dipoles):
    distances_damped = jnp.sqrt(distances_uv ** 2 + 1.0)
    switch_damped = switch_fn(distances_uv)
    switch_ordinary = 1.0 - switch_damped
    chi = switch_damped / distances_damped + switch_ordinary / distances_uv
    chi_shift = 1.0 / CUTOFF
    atomic_charges_u = jnp.take(atomic_charges, idx_u, axis=0)
    atomic_charges_v = jnp.take(atomic_charges, idx_v, axis=0)
    Eelec = atomic_charges_u * atomic_charges_v * (chi - chi_shift)
    # atomic_dipoles == True branch
    chi2 = chi ** 2
    chi3 = chi2 * chi
    chi2_shift = chi_shift ** 2
    chi3_shift = chi2_shift * chi_shift
    chi_vectors = vectors_uv / distances_uv[:, None]
    atomic_dipoles_u = jnp.take(atomic_dipoles, idx_u, axis=0)
    atomic_dipoles_v = jnp.take(atomic_dipoles, idx_v, axis=0)
    dot_uv = jnp.sum(chi_vectors * atomic_dipoles_v, axis=1)
    dot_vu = jnp.sum(chi_vectors * atomic_dipoles_u, axis=1)
    Eelec = Eelec + 2.0 * atomic_charges_u * dot_uv * (chi2 - chi2_shift)
    Eelec = Eelec + (jnp.sum(atomic_dipoles_u * atomic_dipoles_v, axis=1) - 3.0 * dot_uv * dot_vu) * (chi3 - chi3_shift)
    Eelec = KEHALF * Eelec
    Eelec = jnp.where(distances_uv <= CUTOFF, Eelec, jnp.zeros_like(Eelec))
    return Eelec

if __name__ == "__main__":
    import jax
    _d = setup_inputs()
    print(jax.jit(kernel)(*tuple(_d.values())))

</pallas_src>

<mosaic_0001>
#map = affine_map<(d0, d1) -> (0)>
module attributes {stable_mosaic.version = 14 : i64} {
  func.func @body(%arg0: i32, %arg1: i32, %arg2: memref<6400000xf32, #tpu.memory_space<hbm>>, %arg3: memref<6400000xf32, #tpu.memory_space<hbm>>, %arg4: memref<6400000xf32, #tpu.memory_space<hbm>>, %arg5: memref<6400000xf32, #tpu.memory_space<hbm>>, %arg6: memref<6400000xi32, #tpu.memory_space<hbm>>, %arg7: memref<6400000xi32, #tpu.memory_space<hbm>>, %arg8: memref<102400xi32, #tpu.memory_space<hbm>>, %arg9: memref<102400xi32, #tpu.memory_space<hbm>>, %arg10: memref<6400000xf32, #tpu.memory_space<hbm>>, %arg11: memref<102400xi32, #tpu.memory_space<vmem_shared>>, %arg12: memref<102400xi32, #tpu.memory_space<vmem_shared>>, %arg13: memref<4000xi32, #tpu.memory_space<vmem>>, %arg14: memref<2000xf32, #tpu.memory_space<vmem>>, %arg15: memref<2000xf32, #tpu.memory_space<vmem>>, %arg16: memref<2000xf32, #tpu.memory_space<vmem>>, %arg17: memref<2000xf32, #tpu.memory_space<vmem>>, %arg18: memref<4000xi32, #tpu.memory_space<vmem>>, %arg19: memref<4000xi32, #tpu.memory_space<vmem>>, %arg20: memref<2000xf32, #tpu.memory_space<vmem>>, %arg21: memref<!tpu.dma_semaphore, #tpu.memory_space<semaphore_mem>>, %arg22: memref<!tpu.dma_semaphore, #tpu.memory_space<semaphore_mem>>, %arg23: memref<!tpu.dma_semaphore, #tpu.memory_space<semaphore_mem>>, %arg24: memref<!tpu.dma_semaphore, #tpu.memory_space<semaphore_mem>>, %arg25: memref<4000xi32, #tpu.memory_space<vmem>>, %arg26: memref<2000xf32, #tpu.memory_space<vmem>>, %arg27: memref<2000xf32, #tpu.memory_space<vmem>>, %arg28: memref<2000xf32, #tpu.memory_space<vmem>>, %arg29: memref<2000xf32, #tpu.memory_space<vmem>>, %arg30: memref<4000xi32, #tpu.memory_space<vmem>>, %arg31: memref<4000xi32, #tpu.memory_space<vmem>>, %arg32: memref<2000xf32, #tpu.memory_space<vmem>>, %arg33: memref<!tpu.dma_semaphore, #tpu.memory_space<semaphore_mem>>, %arg34: memref<!tpu.dma_semaphore, #tpu.memory_space<semaphore_mem>>, %arg35: memref<!tpu.dma_semaphore, #tpu.memory_space<semaphore_mem>>, %arg36: memref<!tpu.dma_semaphore, #tpu.memory_space<semaphore_mem>>) attributes {dimension_semantics = [#tpu.dimension_semantics<core_parallel>, #tpu.dimension_semantics<subcore_parallel>], iteration_bounds = array<i64: 2, 16>, scalar_prefetch = 0 : i64, scratch_operands = 26 : i64, tpu.core_type = #tpu.core_type<sc_vector_subcore>, window_params = [{transform_indices = #map}, {transform_indices = #map}, {transform_indices = #map}, {transform_indices = #map}, {transform_indices = #map}, {transform_indices = #map}, {transform_indices = #map}, {transform_indices = #map}, {transform_indices = #map}]} {
    %mul3A = arith.constant 16 : i32
    %mul3A_0 = arith.muli %arg0, %mul3A : i32
    %add3A = arith.addi %mul3A_0, %arg1 : i32
    %mul3A_1 = arith.constant 6400 : i32
    %mul3A_2 = arith.muli %arg1, %mul3A_1 : i32
    %add3A_3 = arith.constant 0 : i32
    %add3A_4 = arith.addi %mul3A_2, %add3A_3 : i32
    "tpu.region"() ({
      %run_scoped3A = tpu.sem_alloc : memref<!tpu.dma_semaphore, #tpu.memory_space<semaphore_mem>>
      %dma_start3A_99 = arith.constant 0 : i32
      %dma_start3A_100 = tpu.memref_slice %arg18[%dma_start3A_99] : memref<4000xi32, #tpu.memory_space<vmem>> -> memref<1600xi32, #tpu.memory_space<vmem>>
      %dma_start3A_101 = tpu.memref_slice %arg8[%add3A_4] : memref<102400xi32, #tpu.memory_space<hbm>> -> memref<1600xi32, #tpu.memory_space<hbm>>
      %dma_start3A_102 = arith.constant 0 : i32
      %dma_start3A_103 = tpu.memref_slice %arg18[%dma_start3A_102] : memref<4000xi32, #tpu.memory_space<vmem>> -> memref<1600xi32, #tpu.memory_space<vmem>>
      %dma_start3A_104 = tpu.memref_slice %arg8[%add3A_4] : memref<102400xi32, #tpu.memory_space<hbm>> -> memref<1600xi32, #tpu.memory_space<hbm>>
      tpu.enqueue_dma source(%dma_start3A_104 : memref<1600xi32, #tpu.memory_space<hbm>>) target(%dma_start3A_103 : memref<1600xi32, #tpu.memory_space<vmem>>) target_semaphore(%run_scoped3A : memref<!tpu.dma_semaphore, #tpu.memory_space<semaphore_mem>>)
      %dma_wait3A_105 = arith.constant 0 : i32
      %dma_wait3A_106 = tpu.memref_slice %arg18[%dma_wait3A_105] : memref<4000xi32, #tpu.memory_space<vmem>> -> memref<1600xi32, #tpu.memory_space<vmem>>
      %dma_wait3A_107 = tpu.memref_slice %arg8[%add3A_4] : memref<102400xi32, #tpu.memory_space<hbm>> -> memref<1600xi32, #tpu.memory_space<hbm>>
      %dma_wait3A_108 = arith.constant 0 : i32
      %dma_wait3A_109 = tpu.memref_slice %arg18[%dma_wait3A_108] : memref<4000xi32, #tpu.memory_space<vmem>> -> memref<1600xi32, #tpu.memory_space<vmem>>
      %dma_wait3A_110 = tpu.memref_slice %arg8[%add3A_4] : memref<102400xi32, #tpu.memory_space<hbm>> -> memref<1600xi32, #tpu.memory_space<hbm>>
      tpu.wait_dma2 semaphore(%run_scoped3A : memref<!tpu.dma_semaphore, #tpu.memory_space<semaphore_mem>>) src(%dma_wait3A_110 : memref<1600xi32, #tpu.memory_space<hbm>>) dst(%dma_wait3A_109 : memref<1600xi32, #tpu.memory_space<vmem>>)
      tpu.yield
    }) : () -> ()
    "tpu.region"() ({
      %run_scoped3A = tpu.sem_alloc : memref<!tpu.dma_semaphore, #tpu.memory_space<semaphore_mem>>
      %dma_start3A_99 = arith.constant 0 : i32
      %dma_start3A_100 = tpu.memref_slice %arg18[%dma_start3A_99] : memref<4000xi32, #tpu.memory_space<vmem>> -> memref<1600xi32, #tpu.memory_space<vmem>>
      %dma_start3A_101 = tpu.memref_slice %arg11[%add3A_4] : memref<102400xi32, #tpu.memory_space<vmem_shared>> -> memref<1600xi32, #tpu.memory_space<vmem_shared>>
      %dma_start3A_102 = tpu.memref_slice %arg11[%add3A_4] : memref<102400xi32, #tpu.memory_space<vmem_shared>> -> memref<1600xi32, #tpu.memory_space<vmem_shared>>
      %dma_start3A_103 = arith.constant 0 : i32
      %dma_start3A_104 = tpu.memref_slice %arg18[%dma_start3A_103] : memref<4000xi32, #tpu.memory_space<vmem>> -> memref<1600xi32, #tpu.memory_space<vmem>>
      tpu.enqueue_dma source(%dma_start3A_104 : memref<1600xi32, #tpu.memory_space<vmem>>) target(%dma_start3A_102 : memref<1600xi32, #tpu.memory_space<vmem_shared>>) target_semaphore(%run_scoped3A : memref<!tpu.dma_semaphore, #tpu.memory_space<semaphore_mem>>)
      %dma_wait3A_105 = arith.constant 0 : i32
      %dma_wait3A_106 = tpu.memref_slice %arg18[%dma_wait3A_105] : memref<4000xi32, #tpu.memory_space<vmem>> -> memref<1600xi32, #tpu.memory_space<vmem>>
      %dma_wait3A_107 = tpu.memref_slice %arg11[%add3A_4] : memref<102400xi32, #tpu.memory_space<vmem_shared>> -> memref<1600xi32, #tpu.memory_space<vmem_shared>>
      %dma_wait3A_108 = tpu.memref_slice %arg11[%add3A_4] : memref<102400xi32, #tpu.memory_space<vmem_shared>> -> memref<1600xi32, #tpu.memory_space<vmem_shared>>
      %dma_wait3A_109 = arith.constant 0 : i32
      %dma_wait3A_110 = tpu.memref_slice %arg18[%dma_wait3A_109] : memref<4000xi32, #tpu.memory_space<vmem>> -> memref<1600xi32, #tpu.memory_space<vmem>>
      tpu.wait_dma2 semaphore(%run_scoped3A : memref<!tpu.dma_semaphore, #tpu.memory_space<semaphore_mem>>) src(%dma_wait3A_110 : memref<1600xi32, #tpu.memory_space<vmem>>) dst(%dma_wait3A_108 : memref<1600xi32, #tpu.memory_space<vmem_shared>>)
      tpu.yield
    }) : () -> ()
    %mul3A_5 = arith.constant 6400 : i32
    %mul3A_6 = arith.muli %arg1, %mul3A_5 : i32
    %add3A_7 = arith.constant 1600 : i32
    %add3A_8 = arith.addi %mul3A_6, %add3A_7 : i32
    "tpu.region"() ({
      %run_scoped3A = tpu.sem_alloc : memref<!tpu.dma_semaphore, #tpu.memory_space<semaphore_mem>>
      %dma_start3A_99 = arith.constant 0 : i32
      %dma_start3A_100 = tpu.memref_slice %arg18[%dma_start3A_99] : memref<4000xi32, #tpu.memory_space<vmem>> -> memref<1600xi32, #tpu.memory_space<vmem>>
      %dma_start3A_101 = tpu.memref_slice %arg8[%add3A_8] : memref<102400xi32, #tpu.memory_space<hbm>> -> memref<1600xi32, #tpu.memory_space<hbm>>
      %dma_start3A_102 = arith.constant 0 : i32
      %dma_start3A_103 = tpu.memref_slice %arg18[%dma_start3A_102] : memref<4000xi32, #tpu.memory_space<vmem>> -> memref<1600xi32, #tpu.memory_space<vmem>>
      %dma_start3A_104 = tpu.memref_slice %arg8[%add3A_8] : memref<102400xi32, #tpu.memory_space<hbm>> -> memref<1600xi32, #tpu.memory_space<hbm>>
      tpu.enqueue_dma source(%dma_start3A_104 : memref<1600xi32, #tpu.memory_space<hbm>>) target(%dma_start3A_103 : memref<1600xi32, #tpu.memory_space<vmem>>) target_semaphore(%run_scoped3A : memref<!tpu.dma_semaphore, #tpu.memory_space<semaphore_mem>>)
      %dma_wait3A_105 = arith.constant 0 : i32
      %dma_wait3A_106 = tpu.memref_slice %arg18[%dma_wait3A_105] : memref<4000xi32, #tpu.memory_space<vmem>> -> memref<1600xi32, #tpu.memory_space<vmem>>
      %dma_wait3A_107 = tpu.memref_slice %arg8[%add3A_8] : memref<102400xi32, #tpu.memory_space<hbm>> -> memref<1600xi32, #tpu.memory_space<hbm>>
      %dma_wait3A_108 = arith.constant 0 : i32
      %dma_wait3A_109 = tpu.memref_slice %arg18[%dma_wait3A_108] : memref<4000xi32, #tpu.memory_space<vmem>> -> memref<1600xi32, #tpu.memory_space<vmem>>
      %dma_wait3A_110 = tpu.memref_slice %arg8[%add3A_8] : memref<102400xi32, #tpu.memory_space<hbm>> -> memref<1600xi32, #tpu.memory_space<hbm>>
      tpu.wait_dma2 semaphore(%run_scoped3A : memref<!tpu.dma_semaphore, #tpu.memory_space<semaphore_mem>>) src(%dma_wait3A_110 : memref<1600xi32, #tpu.memory_space<hbm>>) dst(%dma_wait3A_109 : memref<1600xi32, #tpu.memory_space<vmem>>)
      tpu.yield
    }) : () -> ()
    "tpu.region"() ({
      %run_scoped3A = tpu.sem_alloc : memref<!tpu.dma_semaphore, #tpu.memory_space<semaphore_mem>>
      %dma_start3A_99 = arith.constant 0 : i32
      %dma_start3A_100 = tpu.memref_slice %arg18[%dma_start3A_99] : memref<4000xi32, #tpu.memory_space<vmem>> -> memref<1600xi32, #tpu.memory_space<vmem>>
      %dma_start3A_101 = tpu.memref_slice %arg11[%add3A_8] : memref<102400xi32, #tpu.memory_space<vmem_shared>> -> memref<1600xi32, #tpu.memory_space<vmem_shared>>
      %dma_start3A_102 = tpu.memref_slice %arg11[%add3A_8] : memref<102400xi32, #tpu.memory_space<vmem_shared>> -> memref<1600xi32, #tpu.memory_space<vmem_shared>>
      %dma_start3A_103 = arith.constant 0 : i32
      %dma_start3A_104 = tpu.memref_slice %arg18[%dma_start3A_103] : memref<4000xi32, #tpu.memory_space<vmem>> -> memref<1600xi32, #tpu.memory_space<vmem>>
      tpu.enqueue_dma source(%dma_start3A_104 : memref<1600xi32, #tpu.memory_space<vmem>>) target(%dma_start3A_102 : memref<1600xi32, #tpu.memory_space<vmem_shared>>) target_semaphore(%run_scoped3A : memref<!tpu.dma_semaphore, #tpu.memory_space<semaphore_mem>>)
      %dma_wait3A_105 = arith.constant 0 : i32
      %dma_wait3A_106 = tpu.memref_slice %arg18[%dma_wait3A_105] : memref<4000xi32, #tpu.memory_space<vmem>> -> memref<1600xi32, #tpu.memory_space<vmem>>
      %dma_wait3A_107 = tpu.memref_slice %arg11[%add3A_8] : memref<102400xi32, #tpu.memory_space<vmem_shared>> -> memref<1600xi32, #tpu.memory_space<vmem_shared>>
      %dma_wait3A_108 = tpu.memref_slice %arg11[%add3A_8] : memref<102400xi32, #tpu.memory_space<vmem_shared>> -> memref<1600xi32, #tpu.memory_space<vmem_shared>>
      %dma_wait3A_109 = arith.constant 0 : i32
      %dma_wait3A_110 = tpu.memref_slice %arg18[%dma_wait3A_109] : memref<4000xi32, #tpu.memory_space<vmem>> -> memref<1600xi32, #tpu.memory_space<vmem>>
      tpu.wait_dma2 semaphore(%run_scoped3A : memref<!tpu.dma_semaphore, #tpu.memory_space<semaphore_mem>>) src(%dma_wait3A_110 : memref<1600xi32, #tpu.memory_space<vmem>>) dst(%dma_wait3A_108 : memref<1600xi32, #tpu.memory_space<vmem_shared>>)
      tpu.yield
    }) : () -> ()
    %mul3A_9 = arith.constant 6400 : i32
    %mul3A_10 = arith.muli %arg1, %mul3A_9 : i32
    %add3A_11 = arith.constant 3200 : i32
    %add3A_12 = arith.addi %mul3A_10, %add3A_11 : i32
    "tpu.region"() ({
      %run_scoped3A = tpu.sem_alloc : memref<!tpu.dma_semaphore, #tpu.memory_space<semaphore_mem>>
      %dma_start3A_99 = arith.constant 0 : i32
      %dma_start3A_100 = tpu.memref_slice %arg18[%dma_start3A_99] : memref<4000xi32, #tpu.memory_space<vmem>> -> memref<1600xi32, #tpu.memory_space<vmem>>
      %dma_start3A_101 = tpu.memref_slice %arg8[%add3A_12] : memref<102400xi32, #tpu.memory_space<hbm>> -> memref<1600xi32, #tpu.memory_space<hbm>>
      %dma_start3A_102 = arith.constant 0 : i32
      %dma_start3A_103 = tpu.memref_slice %arg18[%dma_start3A_102] : memref<4000xi32, #tpu.memory_space<vmem>> -> memref<1600xi32, #tpu.memory_space<vmem>>
      %dma_start3A_104 = tpu.memref_slice %arg8[%add3A_12] : memref<102400xi32, #tpu.memory_space<hbm>> -> memref<1600xi32, #tpu.memory_space<hbm>>
      tpu.enqueue_dma source(%dma_start3A_104 : memref<1600xi32, #tpu.memory_space<hbm>>) target(%dma_start3A_103 : memref<1600xi32, #tpu.memory_space<vmem>>) target_semaphore(%run_scoped3A : memref<!tpu.dma_semaphore, #tpu.memory_space<semaphore_mem>>)
      %dma_wait3A_105 = arith.constant 0 : i32
      %dma_wait3A_106 = tpu.memref_slice %arg18[%dma_wait3A_105] : memref<4000xi32, #tpu.memory_space<vmem>> -> memref<1600xi32, #tpu.memory_space<vmem>>
      %dma_wait3A_107 = tpu.memref_slice %arg8[%add3A_12] : memref<102400xi32, #tpu.memory_space<hbm>> -> memref<1600xi32, #tpu.memory_space<hbm>>
      %dma_wait3A_108 = arith.constant 0 : i32
      %dma_wait3A_109 = tpu.memref_slice %arg18[%dma_wait3A_108] : memref<4000xi32, #tpu.memory_space<vmem>> -> memref<1600xi32, #tpu.memory_space<vmem>>
      %dma_wait3A_110 = tpu.memref_slice %arg8[%add3A_12] : memref<102400xi32, #tpu.memory_space<hbm>> -> memref<1600xi32, #tpu.memory_space<hbm>>
      tpu.wait_dma2 semaphore(%run_scoped3A : memref<!tpu.dma_semaphore, #tpu.memory_space<semaphore_mem>>) src(%dma_wait3A_110 : memref<1600xi32, #tpu.memory_space<hbm>>) dst(%dma_wait3A_109 : memref<1600xi32, #tpu.memory_space<vmem>>)
      tpu.yield
    }) : () -> ()
    "tpu.region"() ({
      %run_scoped3A = tpu.sem_alloc : memref<!tpu.dma_semaphore, #tpu.memory_space<semaphore_mem>>
      %dma_start3A_99 = arith.constant 0 : i32
      %dma_start3A_100 = tpu.memref_slice %arg18[%dma_start3A_99] : memref<4000xi32, #tpu.memory_space<vmem>> -> memref<1600xi32, #tpu.memory_space<vmem>>
      %dma_start3A_101 = tpu.memref_slice %arg11[%add3A_12] : memref<102400xi32, #tpu.memory_space<vmem_shared>> -> memref<1600xi32, #tpu.memory_space<vmem_shared>>
      %dma_start3A_102 = tpu.memref_slice %arg11[%add3A_12] : memref<102400xi32, #tpu.memory_space<vmem_shared>> -> memref<1600xi32, #tpu.memory_space<vmem_shared>>
      %dma_start3A_103 = arith.constant 0 : i32
      %dma_start3A_104 = tpu.memref_slice %arg18[%dma_start3A_103] : memref<4000xi32, #tpu.memory_space<vmem>> -> memref<1600xi32, #tpu.memory_space<vmem>>
      tpu.enqueue_dma source(%dma_start3A_104 : memref<1600xi32, #tpu.memory_space<vmem>>) target(%dma_start3A_102 : memref<1600xi32, #tpu.memory_space<vmem_shared>>) target_semaphore(%run_scoped3A : memref<!tpu.dma_semaphore, #tpu.memory_space<semaphore_mem>>)
      %dma_wait3A_105 = arith.constant 0 : i32
      %dma_wait3A_106 = tpu.memref_slice %arg18[%dma_wait3A_105] : memref<4000xi32, #tpu.memory_space<vmem>> -> memref<1600xi32, #tpu.memory_space<vmem>>
      %dma_wait3A_107 = tpu.memref_slice %arg11[%add3A_12] : memref<102400xi32, #tpu.memory_space<vmem_shared>> -> memref<1600xi32, #tpu.memory_space<vmem_shared>>
      %dma_wait3A_108 = tpu.memref_slice %arg11[%add3A_12] : memref<102400xi32, #tpu.memory_space<vmem_shared>> -> memref<1600xi32, #tpu.memory_space<vmem_shared>>
      %dma_wait3A_109 = arith.constant 0 : i32
      %dma_wait3A_110 = tpu.memref_slice %arg18[%dma_wait3A_109] : memref<4000xi32, #tpu.memory_space<vmem>> -> memref<1600xi32, #tpu.memory_space<vmem>>
      tpu.wait_dma2 semaphore(%run_scoped3A : memref<!tpu.dma_semaphore, #tpu.memory_space<semaphore_mem>>) src(%dma_wait3A_110 : memref<1600xi32, #tpu.memory_space<vmem>>) dst(%dma_wait3A_108 : memref<1600xi32, #tpu.memory_space<vmem_shared>>)
      tpu.yield
    }) : () -> ()
    %mul3A_13 = arith.constant 6400 : i32
    %mul3A_14 = arith.muli %arg1, %mul3A_13 : i32
    %add3A_15 = arith.constant 4800 : i32
    %add3A_16 = arith.addi %mul3A_14, %add3A_15 : i32
    "tpu.region"() ({
      %run_scoped3A = tpu.sem_alloc : memref<!tpu.dma_semaphore, #tpu.memory_space<semaphore_mem>>
      %dma_start3A_99 = arith.constant 0 : i32
      %dma_start3A_100 = tpu.memref_slice %arg18[%dma_start3A_99] : memref<4000xi32, #tpu.memory_space<vmem>> -> memref<1600xi32, #tpu.memory_space<vmem>>
      %dma_start3A_101 = tpu.memref_slice %arg8[%add3A_16] : memref<102400xi32, #tpu.memory_space<hbm>> -> memref<1600xi32, #tpu.memory_space<hbm>>
      %dma_start3A_102 = arith.constant 0 : i32
      %dma_start3A_103 = tpu.memref_slice %arg18[%dma_start3A_102] : memref<4000xi32, #tpu.memory_space<vmem>> -> memref<1600xi32, #tpu.memory_space<vmem>>
      %dma_start3A_104 = tpu.memref_slice %arg8[%add3A_16] : memref<102400xi32, #tpu.memory_space<hbm>> -> memref<1600xi32, #tpu.memory_space<hbm>>
      tpu.enqueue_dma source(%dma_start3A_104 : memref<1600xi32, #tpu.memory_space<hbm>>) target(%dma_start3A_103 : memref<1600xi32, #tpu.memory_space<vmem>>) target_semaphore(%run_scoped3A : memref<!tpu.dma_semaphore, #tpu.memory_space<semaphore_mem>>)
      %dma_wait3A_105 = arith.constant 0 : i32
      %dma_wait3A_106 = tpu.memref_slice %arg18[%dma_wait3A_105] : memref<4000xi32, #tpu.memory_space<vmem>> -> memref<1600xi32, #tpu.memory_space<vmem>>
      %dma_wait3A_107 = tpu.memref_slice %arg8[%add3A_16] : memref<102400xi32, #tpu.memory_space<hbm>> -> memref<1600xi32, #tpu.memory_space<hbm>>
      %dma_wait3A_108 = arith.constant 0 : i32
      %dma_wait3A_109 = tpu.memref_slice %arg18[%dma_wait3A_108] : memref<4000xi32, #tpu.memory_space<vmem>> -> memref<1600xi32, #tpu.memory_space<vmem>>
      %dma_wait3A_110 = tpu.memref_slice %arg8[%add3A_16] : memref<102400xi32, #tpu.memory_space<hbm>> -> memref<1600xi32, #tpu.memory_space<hbm>>
      tpu.wait_dma2 semaphore(%run_scoped3A : memref<!tpu.dma_semaphore, #tpu.memory_space<semaphore_mem>>) src(%dma_wait3A_110 : memref<1600xi32, #tpu.memory_space<hbm>>) dst(%dma_wait3A_109 : memref<1600xi32, #tpu.memory_space<vmem>>)
      tpu.yield
    }) : () -> ()
    "tpu.region"() ({
      %run_scoped3A = tpu.sem_alloc : memref<!tpu.dma_semaphore, #tpu.memory_space<semaphore_mem>>
      %dma_start3A_99 = arith.constant 0 : i32
      %dma_start3A_100 = tpu.memref_slice %arg18[%dma_start3A_99] : memref<4000xi32, #tpu.memory_space<vmem>> -> memref<1600xi32, #tpu.memory_space<vmem>>
      %dma_start3A_101 = tpu.memref_slice %arg11[%add3A_16] : memref<102400xi32, #tpu.memory_space<vmem_shared>> -> memref<1600xi32, #tpu.memory_space<vmem_shared>>
      %dma_start3A_102 = tpu.memref_slice %arg11[%add3A_16] : memref<102400xi32, #tpu.memory_space<vmem_shared>> -> memref<1600xi32, #tpu.memory_space<vmem_shared>>
      %dma_start3A_103 = arith.constant 0 : i32
      %dma_start3A_104 = tpu.memref_slice %arg18[%dma_start3A_103] : memref<4000xi32, #tpu.memory_space<vmem>> -> memref<1600xi32, #tpu.memory_space<vmem>>
      tpu.enqueue_dma source(%dma_start3A_104 : memref<1600xi32, #tpu.memory_space<vmem>>) target(%dma_start3A_102 : memref<1600xi32, #tpu.memory_space<vmem_shared>>) target_semaphore(%run_scoped3A : memref<!tpu.dma_semaphore, #tpu.memory_space<semaphore_mem>>)
      %dma_wait3A_105 = arith.constant 0 : i32
      %dma_wait3A_106 = tpu.memref_slice %arg18[%dma_wait3A_105] : memref<4000xi32, #tpu.memory_space<vmem>> -> memref<1600xi32, #tpu.memory_space<vmem>>
      %dma_wait3A_107 = tpu.memref_slice %arg11[%add3A_16] : memref<102400xi32, #tpu.memory_space<vmem_shared>> -> memref<1600xi32, #tpu.memory_space<vmem_shared>>
      %dma_wait3A_108 = tpu.memref_slice %arg11[%add3A_16] : memref<102400xi32, #tpu.memory_space<vmem_shared>> -> memref<1600xi32, #tpu.memory_space<vmem_shared>>
      %dma_wait3A_109 = arith.constant 0 : i32
      %dma_wait3A_110 = tpu.memref_slice %arg18[%dma_wait3A_109] : memref<4000xi32, #tpu.memory_space<vmem>> -> memref<1600xi32, #tpu.memory_space<vmem>>
      tpu.wait_dma2 semaphore(%run_scoped3A : memref<!tpu.dma_semaphore, #tpu.memory_space<semaphore_mem>>) src(%dma_wait3A_110 : memref<1600xi32, #tpu.memory_space<vmem>>) dst(%dma_wait3A_108 : memref<1600xi32, #tpu.memory_space<vmem_shared>>)
      tpu.yield
    }) : () -> ()
    %mul3A_17 = arith.constant 6400 : i32
    %mul3A_18 = arith.muli %arg1, %mul3A_17 : i32
    %add3A_19 = arith.constant 0 : i32
    %add3A_20 = arith.addi %mul3A_18, %add3A_19 : i32
    "tpu.region"() ({
      %run_scoped3A = tpu.sem_alloc : memref<!tpu.dma_semaphore, #tpu.memory_space<semaphore_mem>>
      %dma_start3A_99 = arith.constant 0 : i32
      %dma_start3A_100 = tpu.memref_slice %arg19[%dma_start3A_99] : memref<4000xi32, #tpu.memory_space<vmem>> -> memref<1600xi32, #tpu.memory_space<vmem>>
      %dma_start3A_101 = tpu.memref_slice %arg9[%add3A_20] : memref<102400xi32, #tpu.memory_space<hbm>> -> memref<1600xi32, #tpu.memory_space<hbm>>
      %dma_start3A_102 = arith.constant 0 : i32
      %dma_start3A_103 = tpu.memref_slice %arg19[%dma_start3A_102] : memref<4000xi32, #tpu.memory_space<vmem>> -> memref<1600xi32, #tpu.memory_space<vmem>>
      %dma_start3A_104 = tpu.memref_slice %arg9[%add3A_20] : memref<102400xi32, #tpu.memory_space<hbm>> -> memref<1600xi32, #tpu.memory_space<hbm>>
      tpu.enqueue_dma source(%dma_start3A_104 : memref<1600xi32, #tpu.memory_space<hbm>>) target(%dma_start3A_103 : memref<1600xi32, #tpu.memory_space<vmem>>) target_semaphore(%run_scoped3A : memref<!tpu.dma_semaphore, #tpu.memory_space<semaphore_mem>>)
      %dma_wait3A_105 = arith.constant 0 : i32
      %dma_wait3A_106 = tpu.memref_slice %arg19[%dma_wait3A_105] : memref<4000xi32, #tpu.memory_space<vmem>> -> memref<1600xi32, #tpu.memory_space<vmem>>
      %dma_wait3A_107 = tpu.memref_slice %arg9[%add3A_20] : memref<102400xi32, #tpu.memory_space<hbm>> -> memref<1600xi32, #tpu.memory_space<hbm>>
      %dma_wait3A_108 = arith.constant 0 : i32
      %dma_wait3A_109 = tpu.memref_slice %arg19[%dma_wait3A_108] : memref<4000xi32, #tpu.memory_space<vmem>> -> memref<1600xi32, #tpu.memory_space<vmem>>
      %dma_wait3A_110 = tpu.memref_slice %arg9[%add3A_20] : memref<102400xi32, #tpu.memory_space<hbm>> -> memref<1600xi32, #tpu.memory_space<hbm>>
      tpu.wait_dma2 semaphore(%run_scoped3A : memref<!tpu.dma_semaphore, #tpu.memory_space<semaphore_mem>>) src(%dma_wait3A_110 : memref<1600xi32, #tpu.memory_space<hbm>>) dst(%dma_wait3A_109 : memref<1600xi32, #tpu.memory_space<vmem>>)
      tpu.yield
    }) : () -> ()
    "tpu.region"() ({
      %run_scoped3A = tpu.sem_alloc : memref<!tpu.dma_semaphore, #tpu.memory_space<semaphore_mem>>
      %dma_start3A_99 = arith.constant 0 : i32
      %dma_start3A_100 = tpu.memref_slice %arg19[%dma_start3A_99] : memref<4000xi32, #tpu.memory_space<vmem>> -> memref<1600xi32, #tpu.memory_space<vmem>>
      %dma_start3A_101 = tpu.memref_slice %arg12[%add3A_20] : memref<102400xi32, #tpu.memory_space<vmem_shared>> -> memref<1600xi32, #tpu.memory_space<vmem_shared>>
      %dma_start3A_102 = tpu.memref_slice %arg12[%add3A_20] : memref<102400xi32, #tpu.memory_space<vmem_shared>> -> memref<1600xi32, #tpu.memory_space<vmem_shared>>
      %dma_start3A_103 = arith.constant 0 : i32
      %dma_start3A_104 = tpu.memref_slice %arg19[%dma_start3A_103] : memref<4000xi32, #tpu.memory_space<vmem>> -> memref<1600xi32, #tpu.memory_space<vmem>>
      tpu.enqueue_dma source(%dma_start3A_104 : memref<1600xi32, #tpu.memory_space<vmem>>) target(%dma_start3A_102 : memref<1600xi32, #tpu.memory_space<vmem_shared>>) target_semaphore(%run_scoped3A : memref<!tpu.dma_semaphore, #tpu.memory_space<semaphore_mem>>)
      %dma_wait3A_105 = arith.constant 0 : i32
      %dma_wait3A_106 = tpu.memref_slice %arg19[%dma_wait3A_105] : memref<4000xi32, #tpu.memory_space<vmem>> -> memref<1600xi32, #tpu.memory_space<vmem>>
      %dma_wait3A_107 = tpu.memref_slice %arg12[%add3A_20] : memref<102400xi32, #tpu.memory_space<vmem_shared>> -> memref<1600xi32, #tpu.memory_space<vmem_shared>>
      %dma_wait3A_108 = tpu.memref_slice %arg12[%add3A_20] : memref<102400xi32, #tpu.memory_space<vmem_shared>> -> memref<1600xi32, #tpu.memory_space<vmem_shared>>
      %dma_wait3A_109 = arith.constant 0 : i32
      %dma_wait3A_110 = tpu.memref_slice %arg19[%dma_wait3A_109] : memref<4000xi32, #tpu.memory_space<vmem>> -> memref<1600xi32, #tpu.memory_space<vmem>>
      tpu.wait_dma2 semaphore(%run_scoped3A : memref<!tpu.dma_semaphore, #tpu.memory_space<semaphore_mem>>) src(%dma_wait3A_110 : memref<1600xi32, #tpu.memory_space<vmem>>) dst(%dma_wait3A_108 : memref<1600xi32, #tpu.memory_space<vmem_shared>>)
      tpu.yield
    }) : () -> ()
    %mul3A_21 = arith.constant 6400 : i32
    %mul3A_22 = arith.muli %arg1, %mul3A_21 : i32
    %add3A_23 = arith.constant 1600 : i32
    %add3A_24 = arith.addi %mul3A_22, %add3A_23 : i32
    "tpu.region"() ({
      %run_scoped3A = tpu.sem_alloc : memref<!tpu.dma_semaphore, #tpu.memory_space<semaphore_mem>>
      %dma_start3A_99 = arith.constant 0 : i32
      %dma_start3A_100 = tpu.memref_slice %arg19[%dma_start3A_99] : memref<4000xi32, #tpu.memory_space<vmem>> -> memref<1600xi32, #tpu.memory_space<vmem>>
      %dma_start3A_101 = tpu.memref_slice %arg9[%add3A_24] : memref<102400xi32, #tpu.memory_space<hbm>> -> memref<1600xi32, #tpu.memory_space<hbm>>
      %dma_start3A_102 = arith.constant 0 : i32
      %dma_start3A_103 = tpu.memref_slice %arg19[%dma_start3A_102] : memref<4000xi32, #tpu.memory_space<vmem>> -> memref<1600xi32, #tpu.memory_space<vmem>>
      %dma_start3A_104 = tpu.memref_slice %arg9[%add3A_24] : memref<102400xi32, #tpu.memory_space<hbm>> -> memref<1600xi32, #tpu.memory_space<hbm>>
      tpu.enqueue_dma source(%dma_start3A_104 : memref<1600xi32, #tpu.memory_space<hbm>>) target(%dma_start3A_103 : memref<1600xi32, #tpu.memory_space<vmem>>) target_semaphore(%run_scoped3A : memref<!tpu.dma_semaphore, #tpu.memory_space<semaphore_mem>>)
      %dma_wait3A_105 = arith.constant 0 : i32
      %dma_wait3A_106 = tpu.memref_slice %arg19[%dma_wait3A_105] : memref<4000xi32, #tpu.memory_space<vmem>> -> memref<1600xi32, #tpu.memory_space<vmem>>
      %dma_wait3A_107 = tpu.memref_slice %arg9[%add3A_24] : memref<102400xi32, #tpu.memory_space<hbm>> -> memref<1600xi32, #tpu.memory_space<hbm>>
      %dma_wait3A_108 = arith.constant 0 : i32
      %dma_wait3A_109 = tpu.memref_slice %arg19[%dma_wait3A_108] : memref<4000xi32, #tpu.memory_space<vmem>> -> memref<1600xi32, #tpu.memory_space<vmem>>
      %dma_wait3A_110 = tpu.memref_slice %arg9[%add3A_24] : memref<102400xi32, #tpu.memory_space<hbm>> -> memref<1600xi32, #tpu.memory_space<hbm>>
      tpu.wait_dma2 semaphore(%run_scoped3A : memref<!tpu.dma_semaphore, #tpu.memory_space<semaphore_mem>>) src(%dma_wait3A_110 : memref<1600xi32, #tpu.memory_space<hbm>>) dst(%dma_wait3A_109 : memref<1600xi32, #tpu.memory_space<vmem>>)
      tpu.yield
    }) : () -> ()
    "tpu.region"() ({
      %run_scoped3A = tpu.sem_alloc : memref<!tpu.dma_semaphore, #tpu.memory_space<semaphore_mem>>
      %dma_start3A_99 = arith.constant 0 : i32
      %dma_start3A_100 = tpu.memref_slice %arg19[%dma_start3A_99] : memref<4000xi32, #tpu.memory_space<vmem>> -> memref<1600xi32, #tpu.memory_space<vmem>>
      %dma_start3A_101 = tpu.memref_slice %arg12[%add3A_24] : memref<102400xi32, #tpu.memory_space<vmem_shared>> -> memref<1600xi32, #tpu.memory_space<vmem_shared>>
      %dma_start3A_102 = tpu.memref_slice %arg12[%add3A_24] : memref<102400xi32, #tpu.memory_space<vmem_shared>> -> memref<1600xi32, #tpu.memory_space<vmem_shared>>
      %dma_start3A_103 = arith.constant 0 : i32
      %dma_start3A_104 = tpu.memref_slice %arg19[%dma_start3A_103] : memref<4000xi32, #tpu.memory_space<vmem>> -> memref<1600xi32, #tpu.memory_space<vmem>>
      tpu.enqueue_dma source(%dma_start3A_104 : memref<1600xi32, #tpu.memory_space<vmem>>) target(%dma_start3A_102 : memref<1600xi32, #tpu.memory_space<vmem_shared>>) target_semaphore(%run_scoped3A : memref<!tpu.dma_semaphore, #tpu.memory_space<semaphore_mem>>)
      %dma_wait3A_105 = arith.constant 0 : i32
      %dma_wait3A_106 = tpu.memref_slice %arg19[%dma_wait3A_105] : memref<4000xi32, #tpu.memory_space<vmem>> -> memref<1600xi32, #tpu.memory_space<vmem>>
      %dma_wait3A_107 = tpu.memref_slice %arg12[%add3A_24] : memref<102400xi32, #tpu.memory_space<vmem_shared>> -> memref<1600xi32, #tpu.memory_space<vmem_shared>>
      %dma_wait3A_108 = tpu.memref_slice %arg12[%add3A_24] : memref<102400xi32, #tpu.memory_space<vmem_shared>> -> memref<1600xi32, #tpu.memory_space<vmem_shared>>
      %dma_wait3A_109 = arith.constant 0 : i32
      %dma_wait3A_110 = tpu.memref_slice %arg19[%dma_wait3A_109] : memref<4000xi32, #tpu.memory_space<vmem>> -> memref<1600xi32, #tpu.memory_space<vmem>>
      tpu.wait_dma2 semaphore(%run_scoped3A : memref<!tpu.dma_semaphore, #tpu.memory_space<semaphore_mem>>) src(%dma_wait3A_110 : memref<1600xi32, #tpu.memory_space<vmem>>) dst(%dma_wait3A_108 : memref<1600xi32, #tpu.memory_space<vmem_shared>>)
      tpu.yield
    }) : () -> ()
    %mul3A_25 = arith.constant 6400 : i32
    %mul3A_26 = arith.muli %arg1, %mul3A_25 : i32
    %add3A_27 = arith.constant 3200 : i32
    %add3A_28 = arith.addi %mul3A_26, %add3A_27 : i32
    "tpu.region"() ({
      %run_scoped3A = tpu.sem_alloc : memref<!tpu.dma_semaphore, #tpu.memory_space<semaphore_mem>>
      %dma_start3A_99 = arith.constant 0 : i32
      %dma_start3A_100 = tpu.memref_slice %arg19[%dma_start3A_99] : memref<4000xi32, #tpu.memory_space<vmem>> -> memref<1600xi32, #tpu.memory_space<vmem>>
      %dma_start3A_101 = tpu.memref_slice %arg9[%add3A_28] : memref<102400xi32, #tpu.memory_space<hbm>> -> memref<1600xi32, #tpu.memory_space<hbm>>
      %dma_start3A_102 = arith.constant 0 : i32
      %dma_start3A_103 = tpu.memref_slice %arg19[%dma_start3A_102] : memref<4000xi32, #tpu.memory_space<vmem>> -> memref<1600xi32, #tpu.memory_space<vmem>>
      %dma_start3A_104 = tpu.memref_slice %arg9[%add3A_28] : memref<102400xi32, #tpu.memory_space<hbm>> -> memref<1600xi32, #tpu.memory_space<hbm>>
      tpu.enqueue_dma source(%dma_start3A_104 : memref<1600xi32, #tpu.memory_space<hbm>>) target(%dma_start3A_103 : memref<1600xi32, #tpu.memory_space<vmem>>) target_semaphore(%run_scoped3A : memref<!tpu.dma_semaphore, #tpu.memory_space<semaphore_mem>>)
      %dma_wait3A_105 = arith.constant 0 : i32
      %dma_wait3A_106 = tpu.memref_slice %arg19[%dma_wait3A_105] : memref<4000xi32, #tpu.memory_space<vmem>> -> memref<1600xi32, #tpu.memory_space<vmem>>
      %dma_wait3A_107 = tpu.memref_slice %arg9[%add3A_28] : memref<102400xi32, #tpu.memory_space<hbm>> -> memref<1600xi32, #tpu.memory_space<hbm>>
      %dma_wait3A_108 = arith.constant 0 : i32
      %dma_wait3A_109 = tpu.memref_slice %arg19[%dma_wait3A_108] : memref<4000xi32, #tpu.memory_space<vmem>> -> memref<1600xi32, #tpu.memory_space<vmem>>
      %dma_wait3A_110 = tpu.memref_slice %arg9[%add3A_28] : memref<102400xi32, #tpu.memory_space<hbm>> -> memref<1600xi32, #tpu.memory_space<hbm>>
      tpu.wait_dma2 semaphore(%run_scoped3A : memref<!tpu.dma_semaphore, #tpu.memory_space<semaphore_mem>>) src(%dma_wait3A_110 : memref<1600xi32, #tpu.memory_space<hbm>>) dst(%dma_wait3A_109 : memref<1600xi32, #tpu.memory_space<vmem>>)
      tpu.yield
    }) : () -> ()
    "tpu.region"() ({
      %run_scoped3A = tpu.sem_alloc : memref<!tpu.dma_semaphore, #tpu.memory_space<semaphore_mem>>
      %dma_start3A_99 = arith.constant 0 : i32
      %dma_start3A_100 = tpu.memref_slice %arg19[%dma_start3A_99] : memref<4000xi32, #tpu.memory_space<vmem>> -> memref<1600xi32, #tpu.memory_space<vmem>>
      %dma_start3A_101 = tpu.memref_slice %arg12[%add3A_28] : memref<102400xi32, #tpu.memory_space<vmem_shared>> -> memref<1600xi32, #tpu.memory_space<vmem_shared>>
      %dma_start3A_102 = tpu.memref_slice %arg12[%add3A_28] : memref<102400xi32, #tpu.memory_space<vmem_shared>> -> memref<1600xi32, #tpu.memory_space<vmem_shared>>
      %dma_start3A_103 = arith.constant 0 : i32
      %dma_start3A_104 = tpu.memref_slice %arg19[%dma_start3A_103] : memref<4000xi32, #tpu.memory_space<vmem>> -> memref<1600xi32, #tpu.memory_space<vmem>>
      tpu.enqueue_dma source(%dma_start3A_104 : memref<1600xi32, #tpu.memory_space<vmem>>) target(%dma_start3A_102 : memref<1600xi32, #tpu.memory_space<vmem_shared>>) target_semaphore(%run_scoped3A : memref<!tpu.dma_semaphore, #tpu.memory_space<semaphore_mem>>)
      %dma_wait3A_105 = arith.constant 0 : i32
      %dma_wait3A_106 = tpu.memref_slice %arg19[%dma_wait3A_105] : memref<4000xi32, #tpu.memory_space<vmem>> -> memref<1600xi32, #tpu.memory_space<vmem>>
      %dma_wait3A_107 = tpu.memref_slice %arg12[%add3A_28] : memref<102400xi32, #tpu.memory_space<vmem_shared>> -> memref<1600xi32, #tpu.memory_space<vmem_shared>>
      %dma_wait3A_108 = tpu.memref_slice %arg12[%add3A_28] : memref<102400xi32, #tpu.memory_space<vmem_shared>> -> memref<1600xi32, #tpu.memory_space<vmem_shared>>
      %dma_wait3A_109 = arith.constant 0 : i32
      %dma_wait3A_110 = tpu.memref_slice %arg19[%dma_wait3A_109] : memref<4000xi32, #tpu.memory_space<vmem>> -> memref<1600xi32, #tpu.memory_space<vmem>>
      tpu.wait_dma2 semaphore(%run_scoped3A : memref<!tpu.dma_semaphore, #tpu.memory_space<semaphore_mem>>) src(%dma_wait3A_110 : memref<1600xi32, #tpu.memory_space<vmem>>) dst(%dma_wait3A_108 : memref<1600xi32, #tpu.memory_space<vmem_shared>>)
      tpu.yield
    }) : () -> ()
    %mul3A_29 = arith.constant 6400 : i32
    %mul3A_30 = arith.muli %arg1, %mul3A_29 : i32
    %add3A_31 = arith.constant 4800 : i32
    %add3A_32 = arith.addi %mul3A_30, %add3A_31 : i32
    "tpu.region"() ({
      %run_scoped3A = tpu.sem_alloc : memref<!tpu.dma_semaphore, #tpu.memory_space<semaphore_mem>>
      %dma_start3A_99 = arith.constant 0 : i32
      %dma_start3A_100 = tpu.memref_slice %arg19[%dma_start3A_99] : memref<4000xi32, #tpu.memory_space<vmem>> -> memref<1600xi32, #tpu.memory_space<vmem>>
      %dma_start3A_101 = tpu.memref_slice %arg9[%add3A_32] : memref<102400xi32, #tpu.memory_space<hbm>> -> memref<1600xi32, #tpu.memory_space<hbm>>
      %dma_start3A_102 = arith.constant 0 : i32
      %dma_start3A_103 = tpu.memref_slice %arg19[%dma_start3A_102] : memref<4000xi32, #tpu.memory_space<vmem>> -> memref<1600xi32, #tpu.memory_space<vmem>>
      %dma_start3A_104 = tpu.memref_slice %arg9[%add3A_32] : memref<102400xi32, #tpu.memory_space<hbm>> -> memref<1600xi32, #tpu.memory_space<hbm>>
      tpu.enqueue_dma source(%dma_start3A_104 : memref<1600xi32, #tpu.memory_space<hbm>>) target(%dma_start3A_103 : memref<1600xi32, #tpu.memory_space<vmem>>) target_semaphore(%run_scoped3A : memref<!tpu.dma_semaphore, #tpu.memory_space<semaphore_mem>>)
      %dma_wait3A_105 = arith.constant 0 : i32
      %dma_wait3A_106 = tpu.memref_slice %arg19[%dma_wait3A_105] : memref<4000xi32, #tpu.memory_space<vmem>> -> memref<1600xi32, #tpu.memory_space<vmem>>
      %dma_wait3A_107 = tpu.memref_slice %arg9[%add3A_32] : memref<102400xi32, #tpu.memory_space<hbm>> -> memref<1600xi32, #tpu.memory_space<hbm>>
      %dma_wait3A_108 = arith.constant 0 : i32
      %dma_wait3A_109 = tpu.memref_slice %arg19[%dma_wait3A_108] : memref<4000xi32, #tpu.memory_space<vmem>> -> memref<1600xi32, #tpu.memory_space<vmem>>
      %dma_wait3A_110 = tpu.memref_slice %arg9[%add3A_32] : memref<102400xi32, #tpu.memory_space<hbm>> -> memref<1600xi32, #tpu.memory_space<hbm>>
      tpu.wait_dma2 semaphore(%run_scoped3A : memref<!tpu.dma_semaphore, #tpu.memory_space<semaphore_mem>>) src(%dma_wait3A_110 : memref<1600xi32, #tpu.memory_space<hbm>>) dst(%dma_wait3A_109 : memref<1600xi32, #tpu.memory_space<vmem>>)
      tpu.yield
    }) : () -> ()
    "tpu.region"() ({
      %run_scoped3A = tpu.sem_alloc : memref<!tpu.dma_semaphore, #tpu.memory_space<semaphore_mem>>
      %dma_start3A_99 = arith.constant 0 : i32
      %dma_start3A_100 = tpu.memref_slice %arg19[%dma_start3A_99] : memref<4000xi32, #tpu.memory_space<vmem>> -> memref<1600xi32, #tpu.memory_space<vmem>>
      %dma_start3A_101 = tpu.memref_slice %arg12[%add3A_32] : memref<102400xi32, #tpu.memory_space<vmem_shared>> -> memref<1600xi32, #tpu.memory_space<vmem_shared>>
      %dma_start3A_102 = tpu.memref_slice %arg12[%add3A_32] : memref<102400xi32, #tpu.memory_space<vmem_shared>> -> memref<1600xi32, #tpu.memory_space<vmem_shared>>
      %dma_start3A_103 = arith.constant 0 : i32
      %dma_start3A_104 = tpu.memref_slice %arg19[%dma_start3A_103] : memref<4000xi32, #tpu.memory_space<vmem>> -> memref<1600xi32, #tpu.memory_space<vmem>>
      tpu.enqueue_dma source(%dma_start3A_104 : memref<1600xi32, #tpu.memory_space<vmem>>) target(%dma_start3A_102 : memref<1600xi32, #tpu.memory_space<vmem_shared>>) target_semaphore(%run_scoped3A : memref<!tpu.dma_semaphore, #tpu.memory_space<semaphore_mem>>)
      %dma_wait3A_105 = arith.constant 0 : i32
      %dma_wait3A_106 = tpu.memref_slice %arg19[%dma_wait3A_105] : memref<4000xi32, #tpu.memory_space<vmem>> -> memref<1600xi32, #tpu.memory_space<vmem>>
      %dma_wait3A_107 = tpu.memref_slice %arg12[%add3A_32] : memref<102400xi32, #tpu.memory_space<vmem_shared>> -> memref<1600xi32, #tpu.memory_space<vmem_shared>>
      %dma_wait3A_108 = tpu.memref_slice %arg12[%add3A_32] : memref<102400xi32, #tpu.memory_space<vmem_shared>> -> memref<1600xi32, #tpu.memory_space<vmem_shared>>
      %dma_wait3A_109 = arith.constant 0 : i32
      %dma_wait3A_110 = tpu.memref_slice %arg19[%dma_wait3A_109] : memref<4000xi32, #tpu.memory_space<vmem>> -> memref<1600xi32, #tpu.memory_space<vmem>>
      tpu.wait_dma2 semaphore(%run_scoped3A : memref<!tpu.dma_semaphore, #tpu.memory_space<semaphore_mem>>) src(%dma_wait3A_110 : memref<1600xi32, #tpu.memory_space<vmem>>) dst(%dma_wait3A_108 : memref<1600xi32, #tpu.memory_space<vmem_shared>>)
      tpu.yield
    }) : () -> ()
    %barrier3A = arith.constant 0 : index
    tpu.barrier barrier_id(%barrier3A)
    %mul3A_33 = arith.constant 200000 : i32
    %mul3A_34 = arith.muli %add3A, %mul3A_33 : i32
    %add3A_35 = arith.constant 0 : i32
    %add3A_36 = arith.addi %mul3A_34, %add3A_35 : i32
    %dma_start3A = arith.constant 0 : i32
    %dma_start3A_37 = tpu.memref_slice %arg13[%dma_start3A] : memref<4000xi32, #tpu.memory_space<vmem>> -> memref<2000xi32, #tpu.memory_space<vmem>>
    %dma_start3A_38 = tpu.memref_slice %arg6[%add3A_36] : memref<6400000xi32, #tpu.memory_space<hbm>> -> memref<2000xi32, #tpu.memory_space<hbm>>
    %dma_start3A_39 = arith.constant 0 : i32
    %dma_start3A_40 = tpu.memref_slice %arg13[%dma_start3A_39] : memref<4000xi32, #tpu.memory_space<vmem>> -> memref<2000xi32, #tpu.memory_space<vmem>>
    %dma_start3A_41 = tpu.memref_slice %arg6[%add3A_36] : memref<6400000xi32, #tpu.memory_space<hbm>> -> memref<2000xi32, #tpu.memory_space<hbm>>
    tpu.enqueue_dma source(%dma_start3A_41 : memref<2000xi32, #tpu.memory_space<hbm>>) target(%dma_start3A_40 : memref<2000xi32, #tpu.memory_space<vmem>>) target_semaphore(%arg21 : memref<!tpu.dma_semaphore, #tpu.memory_space<semaphore_mem>>)
    %dma_start3A_42 = arith.constant 2000 : i32
    %dma_start3A_43 = tpu.memref_slice %arg13[%dma_start3A_42] : memref<4000xi32, #tpu.memory_space<vmem>> -> memref<2000xi32, #tpu.memory_space<vmem>>
    %dma_start3A_44 = tpu.memref_slice %arg7[%add3A_36] : memref<6400000xi32, #tpu.memory_space<hbm>> -> memref<2000xi32, #tpu.memory_space<hbm>>
    %dma_start3A_45 = arith.constant 2000 : i32
    %dma_start3A_46 = tpu.memref_slice %arg13[%dma_start3A_45] : memref<4000xi32, #tpu.memory_space<vmem>> -> memref<2000xi32, #tpu.memory_space<vmem>>
    %dma_start3A_47 = tpu.memref_slice %arg7[%add3A_36] : memref<6400000xi32, #tpu.memory_space<hbm>> -> memref<2000xi32, #tpu.memory_space<hbm>>
    tpu.enqueue_dma source(%dma_start3A_47 : memref<2000xi32, #tpu.memory_space<hbm>>) target(%dma_start3A_46 : memref<2000xi32, #tpu.memory_space<vmem>>) target_semaphore(%arg21 : memref<!tpu.dma_semaphore, #tpu.memory_space<semaphore_mem>>)
    %dma_start3A_48 = tpu.memref_slice %arg2[%add3A_36] : memref<6400000xf32, #tpu.memory_space<hbm>> -> memref<2000xf32, #tpu.memory_space<hbm>>
    %dma_start3A_49 = tpu.memref_slice %arg2[%add3A_36] : memref<6400000xf32, #tpu.memory_space<hbm>> -> memref<2000xf32, #tpu.memory_space<hbm>>
    tpu.enqueue_dma source(%dma_start3A_49 : memref<2000xf32, #tpu.memory_space<hbm>>) target(%arg14 : memref<2000xf32, #tpu.memory_space<vmem>>) target_semaphore(%arg22 : memref<!tpu.dma_semaphore, #tpu.memory_space<semaphore_mem>>)
    %dma_start3A_50 = tpu.memref_slice %arg3[%add3A_36] : memref<6400000xf32, #tpu.memory_space<hbm>> -> memref<2000xf32, #tpu.memory_space<hbm>>
    %dma_start3A_51 = tpu.memref_slice %arg3[%add3A_36] : memref<6400000xf32, #tpu.memory_space<hbm>> -> memref<2000xf32, #tpu.memory_space<hbm>>
    tpu.enqueue_dma source(%dma_start3A_51 : memref<2000xf32, #tpu.memory_space<hbm>>) target(%arg15 : memref<2000xf32, #tpu.memory_space<vmem>>) target_semaphore(%arg22 : memref<!tpu.dma_semaphore, #tpu.memory_space<semaphore_mem>>)
    %dma_start3A_52 = tpu.memref_slice %arg4[%add3A_36] : memref<6400000xf32, #tpu.memory_space<hbm>> -> memref<2000xf32, #tpu.memory_space<hbm>>
    %dma_start3A_53 = tpu.memref_slice %arg4[%add3A_36] : memref<6400000xf32, #tpu.memory_space<hbm>> -> memref<2000xf32, #tpu.memory_space<hbm>>
    tpu.enqueue_dma source(%dma_start3A_53 : memref<2000xf32, #tpu.memory_space<hbm>>) target(%arg16 : memref<2000xf32, #tpu.memory_space<vmem>>) target_semaphore(%arg22 : memref<!tpu.dma_semaphore, #tpu.memory_space<semaphore_mem>>)
    %dma_start3A_54 = tpu.memref_slice %arg5[%add3A_36] : memref<6400000xf32, #tpu.memory_space<hbm>> -> memref<2000xf32, #tpu.memory_space<hbm>>
    %dma_start3A_55 = tpu.memref_slice %arg5[%add3A_36] : memref<6400000xf32, #tpu.memory_space<hbm>> -> memref<2000xf32, #tpu.memory_space<hbm>>
    tpu.enqueue_dma source(%dma_start3A_55 : memref<2000xf32, #tpu.memory_space<hbm>>) target(%arg17 : memref<2000xf32, #tpu.memory_space<vmem>>) target_semaphore(%arg22 : memref<!tpu.dma_semaphore, #tpu.memory_space<semaphore_mem>>)
    %dma_wait3A = arith.constant 0 : i32
    %dma_wait3A_56 = tpu.memref_slice %arg6[%dma_wait3A] : memref<6400000xi32, #tpu.memory_space<hbm>> -> memref<4000xi32, #tpu.memory_space<hbm>>
    %dma_wait3A_57 = arith.constant 0 : i32
    %dma_wait3A_58 = tpu.memref_slice %arg6[%dma_wait3A_57] : memref<6400000xi32, #tpu.memory_space<hbm>> -> memref<4000xi32, #tpu.memory_space<hbm>>
    tpu.wait_dma2 semaphore(%arg21 : memref<!tpu.dma_semaphore, #tpu.memory_space<semaphore_mem>>) src(%dma_wait3A_58 : memref<4000xi32, #tpu.memory_space<hbm>>) dst(%arg13 : memref<4000xi32, #tpu.memory_space<vmem>>)
    %dma_start3A_59 = arith.constant 0 : i32
    %dma_start3A_60 = tpu.memref_slice %arg11[%dma_start3A_59] : memref<102400xi32, #tpu.memory_space<vmem_shared>> -> memref<102400xi32, #tpu.memory_space<vmem_shared>>
    tpu.enqueue_indirect_dma source(%dma_start3A_60 : memref<102400xi32, #tpu.memory_space<vmem_shared>>) target(%arg18 : memref<4000xi32, #tpu.memory_space<vmem>>) offsets(%arg13 : memref<4000xi32, #tpu.memory_space<vmem>>) semaphore(%arg23 : memref<!tpu.dma_semaphore, #tpu.memory_space<semaphore_mem>>)
    %dma_start3A_61 = arith.constant 0 : i32
    %dma_start3A_62 = tpu.memref_slice %arg12[%dma_start3A_61] : memref<102400xi32, #tpu.memory_space<vmem_shared>> -> memref<102400xi32, #tpu.memory_space<vmem_shared>>
    tpu.enqueue_indirect_dma source(%dma_start3A_62 : memref<102400xi32, #tpu.memory_space<vmem_shared>>) target(%arg19 : memref<4000xi32, #tpu.memory_space<vmem>>) offsets(%arg13 : memref<4000xi32, #tpu.memory_space<vmem>>) semaphore(%arg23 : memref<!tpu.dma_semaphore, #tpu.memory_space<semaphore_mem>>)
    %mul3A_63 = arith.constant 200000 : i32
    %mul3A_64 = arith.muli %add3A, %mul3A_63 : i32
    %add3A_65 = arith.constant 2000 : i32
    %add3A_66 = arith.addi %mul3A_64, %add3A_65 : i32
    %dma_start3A_67 = arith.constant 0 : i32
    %dma_start3A_68 = tpu.memref_slice %arg25[%dma_start3A_67] : memref<4000xi32, #tpu.memory_space<vmem>> -> memref<2000xi32, #tpu.memory_space<vmem>>
    %dma_start3A_69 = tpu.memref_slice %arg6[%add3A_66] : memref<6400000xi32, #tpu.memory_space<hbm>> -> memref<2000xi32, #tpu.memory_space<hbm>>
    %dma_start3A_70 = arith.constant 0 : i32
    %dma_start3A_71 = tpu.memref_slice %arg25[%dma_start3A_70] : memref<4000xi32, #tpu.memory_space<vmem>> -> memref<2000xi32, #tpu.memory_space<vmem>>
    %dma_start3A_72 = tpu.memref_slice %arg6[%add3A_66] : memref<6400000xi32, #tpu.memory_space<hbm>> -> memref<2000xi32, #tpu.memory_space<hbm>>
    tpu.enqueue_dma source(%dma_start3A_72 : memref<2000xi32, #tpu.memory_space<hbm>>) target(%dma_start3A_71 : memref<2000xi32, #tpu.memory_space<vmem>>) target_semaphore(%arg33 : memref<!tpu.dma_semaphore, #tpu.memory_space<semaphore_mem>>)
    %dma_start3A_73 = arith.constant 2000 : i32
    %dma_start3A_74 = tpu.memref_slice %arg25[%dma_start3A_73] : memref<4000xi32, #tpu.memory_space<vmem>> -> memref<2000xi32, #tpu.memory_space<vmem>>
    %dma_start3A_75 = tpu.memref_slice %arg7[%add3A_66] : memref<6400000xi32, #tpu.memory_space<hbm>> -> memref<2000xi32, #tpu.memory_space<hbm>>
    %dma_start3A_76 = arith.constant 2000 : i32
    %dma_start3A_77 = tpu.memref_slice %arg25[%dma_start3A_76] : memref<4000xi32, #tpu.memory_space<vmem>> -> memref<2000xi32, #tpu.memory_space<vmem>>
    %dma_start3A_78 = tpu.memref_slice %arg7[%add3A_66] : memref<6400000xi32, #tpu.memory_space<hbm>> -> memref<2000xi32, #tpu.memory_space<hbm>>
    tpu.enqueue_dma source(%dma_start3A_78 : memref<2000xi32, #tpu.memory_space<hbm>>) target(%dma_start3A_77 : memref<2000xi32, #tpu.memory_space<vmem>>) target_semaphore(%arg33 : memref<!tpu.dma_semaphore, #tpu.memory_space<semaphore_mem>>)
    %dma_start3A_79 = tpu.memref_slice %arg2[%add3A_66] : memref<6400000xf32, #tpu.memory_space<hbm>> -> memref<2000xf32, #tpu.memory_space<hbm>>
    %dma_start3A_80 = tpu.memref_slice %arg2[%add3A_66] : memref<6400000xf32, #tpu.memory_space<hbm>> -> memref<2000xf32, #tpu.memory_space<hbm>>
    tpu.enqueue_dma source(%dma_start3A_80 : memref<2000xf32, #tpu.memory_space<hbm>>) target(%arg26 : memref<2000xf32, #tpu.memory_space<vmem>>) target_semaphore(%arg34 : memref<!tpu.dma_semaphore, #tpu.memory_space<semaphore_mem>>)
    %dma_start3A_81 = tpu.memref_slice %arg3[%add3A_66] : memref<6400000xf32, #tpu.memory_space<hbm>> -> memref<2000xf32, #tpu.memory_space<hbm>>
    %dma_start3A_82 = tpu.memref_slice %arg3[%add3A_66] : memref<6400000xf32, #tpu.memory_space<hbm>> -> memref<2000xf32, #tpu.memory_space<hbm>>
    tpu.enqueue_dma source(%dma_start3A_82 : memref<2000xf32, #tpu.memory_space<hbm>>) target(%arg27 : memref<2000xf32, #tpu.memory_space<vmem>>) target_semaphore(%arg34 : memref<!tpu.dma_semaphore, #tpu.memory_space<semaphore_mem>>)
    %dma_start3A_83 = tpu.memref_slice %arg4[%add3A_66] : memref<6400000xf32, #tpu.memory_space<hbm>> -> memref<2000xf32, #tpu.memory_space<hbm>>
    %dma_start3A_84 = tpu.memref_slice %arg4[%add3A_66] : memref<6400000xf32, #tpu.memory_space<hbm>> -> memref<2000xf32, #tpu.memory_space<hbm>>
    tpu.enqueue_dma source(%dma_start3A_84 : memref<2000xf32, #tpu.memory_space<hbm>>) target(%arg28 : memref<2000xf32, #tpu.memory_space<vmem>>) target_semaphore(%arg34 : memref<!tpu.dma_semaphore, #tpu.memory_space<semaphore_mem>>)
    %dma_start3A_85 = tpu.memref_slice %arg5[%add3A_66] : memref<6400000xf32, #tpu.memory_space<hbm>> -> memref<2000xf32, #tpu.memory_space<hbm>>
    %dma_start3A_86 = tpu.memref_slice %arg5[%add3A_66] : memref<6400000xf32, #tpu.memory_space<hbm>> -> memref<2000xf32, #tpu.memory_space<hbm>>
    tpu.enqueue_dma source(%dma_start3A_86 : memref<2000xf32, #tpu.memory_space<hbm>>) target(%arg29 : memref<2000xf32, #tpu.memory_space<vmem>>) target_semaphore(%arg34 : memref<!tpu.dma_semaphore, #tpu.memory_space<semaphore_mem>>)
    %scan3A = arith.constant 0 : i32
    %scan3A_87 = arith.constant 50 : i32
    %scan3A_88 = arith.addi %scan3A, %scan3A_87 : i32
    %scan3A_89 = arith.constant 1 : i32
    scf.for %scan3A_99 = %scan3A to %scan3A_88 step %scan3A_89  : i32 {
      %mul3A_100 = arith.constant 2 : i32
      %mul3A_101 = arith.muli %mul3A_100, %scan3A_99 : i32
      %add3A_102 = arith.constant 0 : i32
      %add3A_103 = arith.addi %mul3A_101, %add3A_102 : i32
      %add3A_104 = arith.constant 1 : i32
      %add3A_105 = arith.addi %add3A_103, %add3A_104 : i32
      %lt3A = arith.constant 100 : i32
      %lt3A_106 = arith.cmpi slt, %add3A_105, %lt3A : i32
      %convert_element_type3A = arith.extui %lt3A_106 : i1 to i32
      %cond3A = arith.constant 0 : i32
      %cond3A_107 = arith.cmpi ne, %convert_element_type3A, %cond3A : i32
      scf.if %cond3A_107 {
        %dma_wait3A_212 = arith.constant 0 : i32
        %dma_wait3A_213 = tpu.memref_slice %arg6[%dma_wait3A_212] : memref<6400000xi32, #tpu.memory_space<hbm>> -> memref<4000xi32, #tpu.memory_space<hbm>>
        %dma_wait3A_214 = arith.constant 0 : i32
        %dma_wait3A_215 = tpu.memref_slice %arg6[%dma_wait3A_214] : memref<6400000xi32, #tpu.memory_space<hbm>> -> memref<4000xi32, #tpu.memory_space<hbm>>
        tpu.wait_dma2 semaphore(%arg33 : memref<!tpu.dma_semaphore, #tpu.memory_space<semaphore_mem>>) src(%dma_wait3A_215 : memref<4000xi32, #tpu.memory_space<hbm>>) dst(%arg25 : memref<4000xi32, #tpu.memory_space<vmem>>)
        %dma_start3A_216 = arith.constant 0 : i32
        %dma_start3A_217 = tpu.memref_slice %arg11[%dma_start3A_216] : memref<102400xi32, #tpu.memory_space<vmem_shared>> -> memref<102400xi32, #tpu.memory_space<vmem_shared>>
        tpu.enqueue_indirect_dma source(%dma_start3A_217 : memref<102400xi32, #tpu.memory_space<vmem_shared>>) target(%arg30 : memref<4000xi32, #tpu.memory_space<vmem>>) offsets(%arg25 : memref<4000xi32, #tpu.memory_space<vmem>>) semaphore(%arg35 : memref<!tpu.dma_semaphore, #tpu.memory_space<semaphore_mem>>)
        %dma_start3A_218 = arith.constant 0 : i32
        %dma_start3A_219 = tpu.memref_slice %arg12[%dma_start3A_218] : memref<102400xi32, #tpu.memory_space<vmem_shared>> -> memref<102400xi32, #tpu.memory_space<vmem_shared>>
        tpu.enqueue_indirect_dma source(%dma_start3A_219 : memref<102400xi32, #tpu.memory_space<vmem_shared>>) target(%arg31 : memref<4000xi32, #tpu.memory_space<vmem>>) offsets(%arg25 : memref<4000xi32, #tpu.memory_space<vmem>>) semaphore(%arg35 : memref<!tpu.dma_semaphore, #tpu.memory_space<semaphore_mem>>)
      } else {
      }
      %dma_wait3A_108 = arith.constant 0 : i32
      %dma_wait3A_109 = tpu.memref_slice %arg2[%dma_wait3A_108] : memref<6400000xf32, #tpu.memory_space<hbm>> -> memref<2000xf32, #tpu.memory_space<hbm>>
      %dma_wait3A_110 = arith.constant 0 : i32
      %dma_wait3A_111 = tpu.memref_slice %arg2[%dma_wait3A_110] : memref<6400000xf32, #tpu.memory_space<hbm>> -> memref<2000xf32, #tpu.memory_space<hbm>>
      tpu.wait_dma2 semaphore(%arg22 : memref<!tpu.dma_semaphore, #tpu.memory_space<semaphore_mem>>) src(%dma_wait3A_111 : memref<2000xf32, #tpu.memory_space<hbm>>) dst(%arg14 : memref<2000xf32, #tpu.memory_space<vmem>>)
      %dma_wait3A_112 = arith.constant 0 : i32
      %dma_wait3A_113 = tpu.memref_slice %arg2[%dma_wait3A_112] : memref<6400000xf32, #tpu.memory_space<hbm>> -> memref<2000xf32, #tpu.memory_space<hbm>>
      %dma_wait3A_114 = arith.constant 0 : i32
      %dma_wait3A_115 = tpu.memref_slice %arg2[%dma_wait3A_114] : memref<6400000xf32, #tpu.memory_space<hbm>> -> memref<2000xf32, #tpu.memory_space<hbm>>
      tpu.wait_dma2 semaphore(%arg22 : memref<!tpu.dma_semaphore, #tpu.memory_space<semaphore_mem>>) src(%dma_wait3A_115 : memref<2000xf32, #tpu.memory_space<hbm>>) dst(%arg15 : memref<2000xf32, #tpu.memory_space<vmem>>)
      %dma_wait3A_116 = arith.constant 0 : i32
      %dma_wait3A_117 = tpu.memref_slice %arg2[%dma_wait3A_116] : memref<6400000xf32, #tpu.memory_space<hbm>> -> memref<2000xf32, #tpu.memory_space<hbm>>
      %dma_wait3A_118 = arith.constant 0 : i32
      %dma_wait3A_119 = tpu.memref_slice %arg2[%dma_wait3A_118] : memref<6400000xf32, #tpu.memory_space<hbm>> -> memref<2000xf32, #tpu.memory_space<hbm>>
      tpu.wait_dma2 semaphore(%arg22 : memref<!tpu.dma_semaphore, #tpu.memory_space<semaphore_mem>>) src(%dma_wait3A_119 : memref<2000xf32, #tpu.memory_space<hbm>>) dst(%arg16 : memref<2000xf32, #tpu.memory_space<vmem>>)
      %dma_wait3A_120 = arith.constant 0 : i32
      %dma_wait3A_121 = tpu.memref_slice %arg2[%dma_wait3A_120] : memref<6400000xf32, #tpu.memory_space<hbm>> -> memref<2000xf32, #tpu.memory_space<hbm>>
      %dma_wait3A_122 = arith.constant 0 : i32
      %dma_wait3A_123 = tpu.memref_slice %arg2[%dma_wait3A_122] : memref<6400000xf32, #tpu.memory_space<hbm>> -> memref<2000xf32, #tpu.memory_space<hbm>>
      tpu.wait_dma2 semaphore(%arg22 : memref<!tpu.dma_semaphore, #tpu.memory_space<semaphore_mem>>) src(%dma_wait3A_123 : memref<2000xf32, #tpu.memory_space<hbm>>) dst(%arg17 : memref<2000xf32, #tpu.memory_space<vmem>>)
      %dma_wait3A_124 = arith.constant 0 : i32
      %dma_wait3A_125 = tpu.memref_slice %arg6[%dma_wait3A_124] : memref<6400000xi32, #tpu.memory_space<hbm>> -> memref<4000xi32, #tpu.memory_space<hbm>>
      %dma_wait3A_126 = arith.constant 0 : i32
      %dma_wait3A_127 = tpu.memref_slice %arg6[%dma_wait3A_126] : memref<6400000xi32, #tpu.memory_space<hbm>> -> memref<4000xi32, #tpu.memory_space<hbm>>
      tpu.wait_dma2 semaphore(%arg23 : memref<!tpu.dma_semaphore, #tpu.memory_space<semaphore_mem>>) src(%dma_wait3A_127 : memref<4000xi32, #tpu.memory_space<hbm>>) dst(%arg18 : memref<4000xi32, #tpu.memory_space<vmem>>)
      %dma_wait3A_128 = arith.constant 0 : i32
      %dma_wait3A_129 = tpu.memref_slice %arg6[%dma_wait3A_128] : memref<6400000xi32, #tpu.memory_space<hbm>> -> memref<4000xi32, #tpu.memory_space<hbm>>
      %dma_wait3A_130 = arith.constant 0 : i32
      %dma_wait3A_131 = tpu.memref_slice %arg6[%dma_wait3A_130] : memref<6400000xi32, #tpu.memory_space<hbm>> -> memref<4000xi32, #tpu.memory_space<hbm>>
      tpu.wait_dma2 semaphore(%arg23 : memref<!tpu.dma_semaphore, #tpu.memory_space<semaphore_mem>>) src(%dma_wait3A_131 : memref<4000xi32, #tpu.memory_space<hbm>>) dst(%arg19 : memref<4000xi32, #tpu.memory_space<vmem>>)
      %ge3A = arith.constant 2 : i32
      %ge3A_132 = arith.cmpi sge, %add3A_103, %ge3A : i32
      %convert_element_type3A_133 = arith.extui %ge3A_132 : i1 to i32
      %cond3A_134 = arith.constant 0 : i32
      %cond3A_135 = arith.cmpi ne, %convert_element_type3A_133, %cond3A_134 : i32
      scf.if %cond3A_135 {
        %dma_wait3A_212 = arith.constant 0 : i32
        %dma_wait3A_213 = tpu.memref_slice %arg2[%dma_wait3A_212] : memref<6400000xf32, #tpu.memory_space<hbm>> -> memref<2000xf32, #tpu.memory_space<hbm>>
        %dma_wait3A_214 = arith.constant 0 : i32
        %dma_wait3A_215 = tpu.memref_slice %arg2[%dma_wait3A_214] : memref<6400000xf32, #tpu.memory_space<hbm>> -> memref<2000xf32, #tpu.memory_space<hbm>>
        tpu.wait_dma2 semaphore(%arg24 : memref<!tpu.dma_semaphore, #tpu.memory_space<semaphore_mem>>) src(%dma_wait3A_215 : memref<2000xf32, #tpu.memory_space<hbm>>) dst(%arg20 : memref<2000xf32, #tpu.memory_space<vmem>>)
      } else {
      }
      %broadcast_in_dim3A = arith.constant -65536 : i32
      %broadcast_in_dim3A_136 = vector.broadcast %broadcast_in_dim3A : i32 to vector<16xi32>
      %parallel_loop3A = arith.constant 0 : i32
      %parallel_loop3A_137 = arith.constant 125 : i32
      %parallel_loop3A_138 = arith.constant 1 : i32
      scf.for %parallel_loop3A_212 = %parallel_loop3A to %parallel_loop3A_137 step %parallel_loop3A_138  : i32 {
        %parallel_loop3A_213 = arith.constant 16 : i32
        %parallel_loop3A_214 = arith.muli %parallel_loop3A_212, %parallel_loop3A_213 : i32
        %parallel_loop3A_215 = arith.index_cast %parallel_loop3A_214 : i32 to index
        %parallel_loop3A_216 = tpu.vector_load %arg14[%parallel_loop3A_215] {strides = array<i32>} : memref<2000xf32, #tpu.memory_space<vmem>>, vector<16xf32>,
        %parallel_loop3A_217 = vector.shape_cast %parallel_loop3A_216 : vector<16xf32> to vector<16xf32>
        %parallel_loop3A_218 = arith.index_cast %parallel_loop3A_214 : i32 to index
        %parallel_loop3A_219 = tpu.vector_load %arg15[%parallel_loop3A_218] {strides = array<i32>} : memref<2000xf32, #tpu.memory_space<vmem>>, vector<16xf32>,
        %parallel_loop3A_220 = vector.shape_cast %parallel_loop3A_219 : vector<16xf32> to vector<16xf32>
        %parallel_loop3A_221 = arith.index_cast %parallel_loop3A_214 : i32 to index
        %parallel_loop3A_222 = tpu.vector_load %arg16[%parallel_loop3A_221] {strides = array<i32>} : memref<2000xf32, #tpu.memory_space<vmem>>, vector<16xf32>,
        %parallel_loop3A_223 = vector.shape_cast %parallel_loop3A_222 : vector<16xf32> to vector<16xf32>
        %parallel_loop3A_224 = arith.index_cast %parallel_loop3A_214 : i32 to index
        %parallel_loop3A_225 = tpu.vector_load %arg17[%parallel_loop3A_224] {strides = array<i32>} : memref<2000xf32, #tpu.memory_space<vmem>>, vector<16xf32>,
        %parallel_loop3A_226 = vector.shape_cast %parallel_loop3A_225 : vector<16xf32> to vector<16xf32>
        %parallel_loop3A_227 = arith.index_cast %parallel_loop3A_214 : i32 to index
        %parallel_loop3A_228 = tpu.vector_load %arg18[%parallel_loop3A_227] {strides = array<i32>} : memref<4000xi32, #tpu.memory_space<vmem>>, vector<16xi32>,
        %parallel_loop3A_229 = vector.shape_cast %parallel_loop3A_228 : vector<16xi32> to vector<16xi32>
        %parallel_loop3A_230 = arith.index_cast %parallel_loop3A_214 : i32 to index
        %parallel_loop3A_231 = tpu.vector_load %arg19[%parallel_loop3A_230] {strides = array<i32>} : memref<4000xi32, #tpu.memory_space<vmem>>, vector<16xi32>,
        %parallel_loop3A_232 = vector.shape_cast %parallel_loop3A_231 : vector<16xi32> to vector<16xi32>
        %parallel_loop3A_233 = arith.andi %parallel_loop3A_229, %broadcast_in_dim3A_136 : vector<16xi32>
        %parallel_loop3A_234 = tpu.bitcast %parallel_loop3A_233 : vector<16xi32> -> vector<16xf32>
        %parallel_loop3A_235 = arith.constant 16 : i32
        %parallel_loop3A_236 = vector.broadcast %parallel_loop3A_235 : i32 to vector<16xi32>
        %parallel_loop3A_237 = arith.shli %parallel_loop3A_229, %parallel_loop3A_236 : vector<16xi32>
        %parallel_loop3A_238 = tpu.bitcast %parallel_loop3A_237 : vector<16xi32> -> vector<16xf32>
        %parallel_loop3A_239 = arith.andi %parallel_loop3A_232, %broadcast_in_dim3A_136 : vector<16xi32>
        %parallel_loop3A_240 = tpu.bitcast %parallel_loop3A_239 : vector<16xi32> -> vector<16xf32>
        %parallel_loop3A_241 = arith.constant 16 : i32
        %parallel_loop3A_242 = vector.broadcast %parallel_loop3A_241 : i32 to vector<16xi32>
        %parallel_loop3A_243 = arith.shli %parallel_loop3A_232, %parallel_loop3A_242 : vector<16xi32>
        %parallel_loop3A_244 = tpu.bitcast %parallel_loop3A_243 : vector<16xi32> -> vector<16xf32>
        %parallel_loop3A_245 = arith.constant 2000 : i32
        %parallel_loop3A_246 = arith.addi %parallel_loop3A_245, %parallel_loop3A_214 : i32
        %parallel_loop3A_247 = arith.index_cast %parallel_loop3A_246 : i32 to index
        %parallel_loop3A_248 = tpu.vector_load %arg18[%parallel_loop3A_247] {strides = array<i32>} : memref<4000xi32, #tpu.memory_space<vmem>>, vector<16xi32>,
        %parallel_loop3A_249 = vector.shape_cast %parallel_loop3A_248 : vector<16xi32> to vector<16xi32>
        %parallel_loop3A_250 = arith.constant 2000 : i32
        %parallel_loop3A_251 = arith.addi %parallel_loop3A_250, %parallel_loop3A_214 : i32
        %parallel_loop3A_252 = arith.index_cast %parallel_loop3A_251 : i32 to index
        %parallel_loop3A_253 = tpu.vector_load %arg19[%parallel_loop3A_252] {strides = array<i32>} : memref<4000xi32, #tpu.memory_space<vmem>>, vector<16xi32>,
        %parallel_loop3A_254 = vector.shape_cast %parallel_loop3A_253 : vector<16xi32> to vector<16xi32>
        %parallel_loop3A_255 = arith.andi %parallel_loop3A_249, %broadcast_in_dim3A_136 : vector<16xi32>
        %parallel_loop3A_256 = tpu.bitcast %parallel_loop3A_255 : vector<16xi32> -> vector<16xf32>
        %parallel_loop3A_257 = arith.constant 16 : i32
        %parallel_loop3A_258 = vector.broadcast %parallel_loop3A_257 : i32 to vector<16xi32>
        %parallel_loop3A_259 = arith.shli %parallel_loop3A_249, %parallel_loop3A_258 : vector<16xi32>
        %parallel_loop3A_260 = tpu.bitcast %parallel_loop3A_259 : vector<16xi32> -> vector<16xf32>
        %parallel_loop3A_261 = arith.andi %parallel_loop3A_254, %broadcast_in_dim3A_136 : vector<16xi32>
        %parallel_loop3A_262 = tpu.bitcast %parallel_loop3A_261 : vector<16xi32> -> vector<16xf32>
        %parallel_loop3A_263 = arith.constant 16 : i32
        %parallel_loop3A_264 = vector.broadcast %parallel_loop3A_263 : i32 to vector<16xi32>
        %parallel_loop3A_265 = arith.shli %parallel_loop3A_254, %parallel_loop3A_264 : vector<16xi32>
        %parallel_loop3A_266 = tpu.bitcast %parallel_loop3A_265 : vector<16xi32> -> vector<16xf32>
        %parallel_loop3A_267 = arith.constant 5.000000e-01 : f32
        %parallel_loop3A_268 = vector.broadcast %parallel_loop3A_267 : f32 to vector<16xf32>
        %parallel_loop3A_269 = arith.mulf %parallel_loop3A_217, %parallel_loop3A_268 : vector<16xf32>
        %parallel_loop3A_270 = arith.constant 0.000000e+00 : f32
        %parallel_loop3A_271 = arith.constant 1.000000e+00 : f32
        %parallel_loop3A_272 = vector.broadcast %parallel_loop3A_270 : f32 to vector<16xf32>
        %parallel_loop3A_273 = arith.maximumf %parallel_loop3A_272, %parallel_loop3A_269 : vector<16xf32>
        %parallel_loop3A_274 = vector.broadcast %parallel_loop3A_271 : f32 to vector<16xf32>
        %parallel_loop3A_275 = arith.minimumf %parallel_loop3A_274, %parallel_loop3A_273 : vector<16xf32>
        %parallel_loop3A_276 = arith.mulf %parallel_loop3A_275, %parallel_loop3A_275 : vector<16xf32>
        %parallel_loop3A_277 = arith.mulf %parallel_loop3A_276, %parallel_loop3A_275 : vector<16xf32>
        %parallel_loop3A_278 = arith.constant 6.000000e+00 : f32
        %parallel_loop3A_279 = vector.broadcast %parallel_loop3A_278 : f32 to vector<16xf32>
        %parallel_loop3A_280 = arith.mulf %parallel_loop3A_279, %parallel_loop3A_276 : vector<16xf32>
        %parallel_loop3A_281 = arith.constant 1.500000e+01 : f32
        %parallel_loop3A_282 = vector.broadcast %parallel_loop3A_281 : f32 to vector<16xf32>
        %parallel_loop3A_283 = arith.mulf %parallel_loop3A_282, %parallel_loop3A_275 : vector<16xf32>
        %parallel_loop3A_284 = arith.subf %parallel_loop3A_280, %parallel_loop3A_283 : vector<16xf32>
        %parallel_loop3A_285 = arith.constant 1.000000e+01 : f32
        %parallel_loop3A_286 = vector.broadcast %parallel_loop3A_285 : f32 to vector<16xf32>
        %parallel_loop3A_287 = arith.addf %parallel_loop3A_284, %parallel_loop3A_286 : vector<16xf32>
        %parallel_loop3A_288 = arith.mulf %parallel_loop3A_287, %parallel_loop3A_277 : vector<16xf32>
        %parallel_loop3A_289 = arith.constant 1.000000e+00 : f32
        %parallel_loop3A_290 = vector.broadcast %parallel_loop3A_289 : f32 to vector<16xf32>
        %parallel_loop3A_291 = arith.subf %parallel_loop3A_290, %parallel_loop3A_288 : vector<16xf32>
        %parallel_loop3A_292 = arith.constant 1.000000e+00 : f32
        %parallel_loop3A_293 = vector.broadcast %parallel_loop3A_292 : f32 to vector<16xf32>
        %parallel_loop3A_294 = arith.divf %parallel_loop3A_293, %parallel_loop3A_217 : vector<16xf32>
        %parallel_loop3A_295 = arith.mulf %parallel_loop3A_217, %parallel_loop3A_217 : vector<16xf32>
        %parallel_loop3A_296 = arith.constant 1.000000e+00 : f32
        %parallel_loop3A_297 = vector.broadcast %parallel_loop3A_296 : f32 to vector<16xf32>
        %parallel_loop3A_298 = arith.addf %parallel_loop3A_295, %parallel_loop3A_297 : vector<16xf32>
        %parallel_loop3A_299 = tpu.bitcast %parallel_loop3A_298 : vector<16xf32> -> vector<16xi32>
        %parallel_loop3A_300 = arith.constant 1 : i32
        %parallel_loop3A_301 = vector.broadcast %parallel_loop3A_300 : i32 to vector<16xi32>
        %parallel_loop3A_302 = arith.shrui %parallel_loop3A_299, %parallel_loop3A_301 : vector<16xi32>
        %parallel_loop3A_303 = arith.constant 1597463007 : i32
        %parallel_loop3A_304 = vector.broadcast %parallel_loop3A_303 : i32 to vector<16xi32>
        %parallel_loop3A_305 = arith.subi %parallel_loop3A_304, %parallel_loop3A_302 : vector<16xi32>
        %parallel_loop3A_306 = tpu.bitcast %parallel_loop3A_305 : vector<16xi32> -> vector<16xf32>
        %parallel_loop3A_307 = arith.constant 5.000000e-01 : f32
        %parallel_loop3A_308 = vector.broadcast %parallel_loop3A_307 : f32 to vector<16xf32>
        %parallel_loop3A_309 = arith.mulf %parallel_loop3A_308, %parallel_loop3A_298 : vector<16xf32>
        %parallel_loop3A_310 = arith.mulf %parallel_loop3A_309, %parallel_loop3A_306 : vector<16xf32>
        %parallel_loop3A_311 = arith.mulf %parallel_loop3A_310, %parallel_loop3A_306 : vector<16xf32>
        %parallel_loop3A_312 = arith.constant 1.500000e+00 : f32
        %parallel_loop3A_313 = vector.broadcast %parallel_loop3A_312 : f32 to vector<16xf32>
        %parallel_loop3A_314 = arith.subf %parallel_loop3A_313, %parallel_loop3A_311 : vector<16xf32>
        %parallel_loop3A_315 = arith.mulf %parallel_loop3A_306, %parallel_loop3A_314 : vector<16xf32>
        %parallel_loop3A_316 = arith.constant 5.000000e-01 : f32
        %parallel_loop3A_317 = vector.broadcast %parallel_loop3A_316 : f32 to vector<16xf32>
        %parallel_loop3A_318 = arith.mulf %parallel_loop3A_317, %parallel_loop3A_298 : vector<16xf32>
        %parallel_loop3A_319 = arith.mulf %parallel_loop3A_318, %parallel_loop3A_315 : vector<16xf32>
        %parallel_loop3A_320 = arith.mulf %parallel_loop3A_319, %parallel_loop3A_315 : vector<16xf32>
        %parallel_loop3A_321 = arith.constant 1.500000e+00 : f32
        %parallel_loop3A_322 = vector.broadcast %parallel_loop3A_321 : f32 to vector<16xf32>
        %parallel_loop3A_323 = arith.subf %parallel_loop3A_322, %parallel_loop3A_320 : vector<16xf32>
        %parallel_loop3A_324 = arith.mulf %parallel_loop3A_315, %parallel_loop3A_323 : vector<16xf32>
        %parallel_loop3A_325 = arith.mulf %parallel_loop3A_291, %parallel_loop3A_324 : vector<16xf32>
        %parallel_loop3A_326 = arith.constant 1.000000e+00 : f32
        %parallel_loop3A_327 = vector.broadcast %parallel_loop3A_326 : f32 to vector<16xf32>
        %parallel_loop3A_328 = arith.subf %parallel_loop3A_327, %parallel_loop3A_291 : vector<16xf32>
        %parallel_loop3A_329 = arith.mulf %parallel_loop3A_328, %parallel_loop3A_294 : vector<16xf32>
        %parallel_loop3A_330 = arith.addf %parallel_loop3A_325, %parallel_loop3A_329 : vector<16xf32>
        %parallel_loop3A_331 = arith.mulf %parallel_loop3A_330, %parallel_loop3A_330 : vector<16xf32>
        %parallel_loop3A_332 = arith.mulf %parallel_loop3A_331, %parallel_loop3A_330 : vector<16xf32>
        %parallel_loop3A_333 = arith.mulf %parallel_loop3A_220, %parallel_loop3A_260 : vector<16xf32>
        %parallel_loop3A_334 = arith.mulf %parallel_loop3A_223, %parallel_loop3A_262 : vector<16xf32>
        %parallel_loop3A_335 = arith.addf %parallel_loop3A_333, %parallel_loop3A_334 : vector<16xf32>
        %parallel_loop3A_336 = arith.mulf %parallel_loop3A_226, %parallel_loop3A_266 : vector<16xf32>
        %parallel_loop3A_337 = arith.addf %parallel_loop3A_335, %parallel_loop3A_336 : vector<16xf32>
        %parallel_loop3A_338 = arith.mulf %parallel_loop3A_337, %parallel_loop3A_294 : vector<16xf32>
        %parallel_loop3A_339 = arith.mulf %parallel_loop3A_220, %parallel_loop3A_238 : vector<16xf32>
        %parallel_loop3A_340 = arith.mulf %parallel_loop3A_223, %parallel_loop3A_240 : vector<16xf32>
        %parallel_loop3A_341 = arith.addf %parallel_loop3A_339, %parallel_loop3A_340 : vector<16xf32>
        %parallel_loop3A_342 = arith.mulf %parallel_loop3A_226, %parallel_loop3A_244 : vector<16xf32>
        %parallel_loop3A_343 = arith.addf %parallel_loop3A_341, %parallel_loop3A_342 : vector<16xf32>
        %parallel_loop3A_344 = arith.mulf %parallel_loop3A_343, %parallel_loop3A_294 : vector<16xf32>
        %parallel_loop3A_345 = arith.mulf %parallel_loop3A_238, %parallel_loop3A_260 : vector<16xf32>
        %parallel_loop3A_346 = arith.mulf %parallel_loop3A_240, %parallel_loop3A_262 : vector<16xf32>
        %parallel_loop3A_347 = arith.addf %parallel_loop3A_345, %parallel_loop3A_346 : vector<16xf32>
        %parallel_loop3A_348 = arith.mulf %parallel_loop3A_244, %parallel_loop3A_266 : vector<16xf32>
        %parallel_loop3A_349 = arith.addf %parallel_loop3A_347, %parallel_loop3A_348 : vector<16xf32>
        %parallel_loop3A_350 = arith.mulf %parallel_loop3A_234, %parallel_loop3A_256 : vector<16xf32>
        %parallel_loop3A_351 = arith.constant 1.000000e-01 : f32
        %parallel_loop3A_352 = vector.broadcast %parallel_loop3A_351 : f32 to vector<16xf32>
        %parallel_loop3A_353 = arith.subf %parallel_loop3A_330, %parallel_loop3A_352 : vector<16xf32>
        %parallel_loop3A_354 = arith.mulf %parallel_loop3A_350, %parallel_loop3A_353 : vector<16xf32>
        %parallel_loop3A_355 = arith.constant 2.000000e+00 : f32
        %parallel_loop3A_356 = vector.broadcast %parallel_loop3A_355 : f32 to vector<16xf32>
        %parallel_loop3A_357 = arith.mulf %parallel_loop3A_356, %parallel_loop3A_234 : vector<16xf32>
        %parallel_loop3A_358 = arith.mulf %parallel_loop3A_357, %parallel_loop3A_338 : vector<16xf32>
        %parallel_loop3A_359 = arith.constant 0.00999999977 : f32
        %parallel_loop3A_360 = vector.broadcast %parallel_loop3A_359 : f32 to vector<16xf32>
        %parallel_loop3A_361 = arith.subf %parallel_loop3A_331, %parallel_loop3A_360 : vector<16xf32>
        %parallel_loop3A_362 = arith.mulf %parallel_loop3A_358, %parallel_loop3A_361 : vector<16xf32>
        %parallel_loop3A_363 = arith.addf %parallel_loop3A_354, %parallel_loop3A_362 : vector<16xf32>
        %parallel_loop3A_364 = arith.constant 3.000000e+00 : f32
        %parallel_loop3A_365 = vector.broadcast %parallel_loop3A_364 : f32 to vector<16xf32>
        %parallel_loop3A_366 = arith.mulf %parallel_loop3A_365, %parallel_loop3A_338 : vector<16xf32>
        %parallel_loop3A_367 = arith.mulf %parallel_loop3A_366, %parallel_loop3A_344 : vector<16xf32>
        %parallel_loop3A_368 = arith.subf %parallel_loop3A_349, %parallel_loop3A_367 : vector<16xf32>
        %parallel_loop3A_369 = arith.constant 1.000000e-03 : f32
        %parallel_loop3A_370 = vector.broadcast %parallel_loop3A_369 : f32 to vector<16xf32>
        %parallel_loop3A_371 = arith.subf %parallel_loop3A_332, %parallel_loop3A_370 : vector<16xf32>
        %parallel_loop3A_372 = arith.mulf %parallel_loop3A_368, %parallel_loop3A_371 : vector<16xf32>
        %parallel_loop3A_373 = arith.addf %parallel_loop3A_363, %parallel_loop3A_372 : vector<16xf32>
        %parallel_loop3A_374 = arith.constant 7.1998229 : f32
        %parallel_loop3A_375 = vector.broadcast %parallel_loop3A_374 : f32 to vector<16xf32>
        %parallel_loop3A_376 = arith.mulf %parallel_loop3A_375, %parallel_loop3A_373 : vector<16xf32>
        %parallel_loop3A_377 = arith.constant 1.000000e+01 : f32
        %parallel_loop3A_378 = vector.broadcast %parallel_loop3A_377 : f32 to vector<16xf32>
        %parallel_loop3A_379 = arith.cmpf ole, %parallel_loop3A_217, %parallel_loop3A_378 : vector<16xf32>
        %parallel_loop3A_380 = arith.constant 0.000000e+00 : f32
        %parallel_loop3A_381 = vector.broadcast %parallel_loop3A_380 : f32 to vector<16xf32>
        %parallel_loop3A_382 = arith.select %parallel_loop3A_379, %parallel_loop3A_376, %parallel_loop3A_381 : vector<16xi1>, vector<16xf32>
        %parallel_loop3A_383 = arith.index_cast %parallel_loop3A_214 : i32 to index
        %parallel_loop3A_384 = tpu.vector_load %arg20[%parallel_loop3A_383] {strides = array<i32>} : memref<2000xf32, #tpu.memory_space<vmem>>, vector<16xf32>,
        %parallel_loop3A_385 = vector.shape_cast %parallel_loop3A_384 : vector<16xf32> to vector<16xf32>
        %parallel_loop3A_386 = vector.shape_cast %parallel_loop3A_382 : vector<16xf32> to vector<16xf32>
        tpu.vector_store %arg20[%parallel_loop3A_383], %parallel_loop3A_386 {strides = array<i32>} : memref<2000xf32, #tpu.memory_space<vmem>>, vector<16xf32>,
      } {sc.loop_unroll_factor = 2 : i64, sc.parallel_access}
      %mul3A_139 = arith.constant 200000 : i32
      %mul3A_140 = arith.muli %add3A, %mul3A_139 : i32
      %mul3A_141 = arith.constant 2000 : i32
      %mul3A_142 = arith.muli %add3A_103, %mul3A_141 : i32
      %add3A_143 = arith.addi %mul3A_140, %mul3A_142 : i32
      %dma_start3A_144 = tpu.memref_slice %arg10[%add3A_143] : memref<6400000xf32, #tpu.memory_space<hbm>> -> memref<2000xf32, #tpu.memory_space<hbm>>
      %dma_start3A_145 = tpu.memref_slice %arg10[%add3A_143] : memref<6400000xf32, #tpu.memory_space<hbm>> -> memref<2000xf32, #tpu.memory_space<hbm>>
      tpu.enqueue_dma source(%arg20 : memref<2000xf32, #tpu.memory_space<vmem>>) target(%dma_start3A_145 : memref<2000xf32, #tpu.memory_space<hbm>>) target_semaphore(%arg24 : memref<!tpu.dma_semaphore, #tpu.memory_space<semaphore_mem>>)
      %add3A_146 = arith.constant 2 : i32
      %add3A_147 = arith.addi %add3A_103, %add3A_146 : i32
      %lt3A_148 = arith.constant 100 : i32
      %lt3A_149 = arith.cmpi slt, %add3A_147, %lt3A_148 : i32
      %convert_element_type3A_150 = arith.extui %lt3A_149 : i1 to i32
      %cond3A_151 = arith.constant 0 : i32
      %cond3A_152 = arith.cmpi ne, %convert_element_type3A_150, %cond3A_151 : i32
      scf.if %cond3A_152 {
        %add3A_212 = arith.constant 2 : i32
        %add3A_213 = arith.addi %add3A_103, %add3A_212 : i32
        %mul3A_214 = arith.constant 200000 : i32
        %mul3A_215 = arith.muli %add3A, %mul3A_214 : i32
        %mul3A_216 = arith.constant 2000 : i32
        %mul3A_217 = arith.muli %add3A_213, %mul3A_216 : i32
        %add3A_218 = arith.addi %mul3A_215, %mul3A_217 : i32
        %dma_start3A_219 = arith.constant 0 : i32
        %dma_start3A_220 = tpu.memref_slice %arg13[%dma_start3A_219] : memref<4000xi32, #tpu.memory_space<vmem>> -> memref<2000xi32, #tpu.memory_space<vmem>>
        %dma_start3A_221 = tpu.memref_slice %arg6[%add3A_218] : memref<6400000xi32, #tpu.memory_space<hbm>> -> memref<2000xi32, #tpu.memory_space<hbm>>
        %dma_start3A_222 = arith.constant 0 : i32
        %dma_start3A_223 = tpu.memref_slice %arg13[%dma_start3A_222] : memref<4000xi32, #tpu.memory_space<vmem>> -> memref<2000xi32, #tpu.memory_space<vmem>>
        %dma_start3A_224 = tpu.memref_slice %arg6[%add3A_218] : memref<6400000xi32, #tpu.memory_space<hbm>> -> memref<2000xi32, #tpu.memory_space<hbm>>
        tpu.enqueue_dma source(%dma_start3A_224 : memref<2000xi32, #tpu.memory_space<hbm>>) target(%dma_start3A_223 : memref<2000xi32, #tpu.memory_space<vmem>>) target_semaphore(%arg21 : memref<!tpu.dma_semaphore, #tpu.memory_space<semaphore_mem>>)
        %dma_start3A_225 = arith.constant 2000 : i32
        %dma_start3A_226 = tpu.memref_slice %arg13[%dma_start3A_225] : memref<4000xi32, #tpu.memory_space<vmem>> -> memref<2000xi32, #tpu.memory_space<vmem>>
        %dma_start3A_227 = tpu.memref_slice %arg7[%add3A_218] : memref<6400000xi32, #tpu.memory_space<hbm>> -> memref<2000xi32, #tpu.memory_space<hbm>>
        %dma_start3A_228 = arith.constant 2000 : i32
        %dma_start3A_229 = tpu.memref_slice %arg13[%dma_start3A_228] : memref<4000xi32, #tpu.memory_space<vmem>> -> memref<2000xi32, #tpu.memory_space<vmem>>
        %dma_start3A_230 = tpu.memref_slice %arg7[%add3A_218] : memref<6400000xi32, #tpu.memory_space<hbm>> -> memref<2000xi32, #tpu.memory_space<hbm>>
        tpu.enqueue_dma source(%dma_start3A_230 : memref<2000xi32, #tpu.memory_space<hbm>>) target(%dma_start3A_229 : memref<2000xi32, #tpu.memory_space<vmem>>) target_semaphore(%arg21 : memref<!tpu.dma_semaphore, #tpu.memory_space<semaphore_mem>>)
        %dma_start3A_231 = tpu.memref_slice %arg2[%add3A_218] : memref<6400000xf32, #tpu.memory_space<hbm>> -> memref<2000xf32, #tpu.memory_space<hbm>>
        %dma_start3A_232 = tpu.memref_slice %arg2[%add3A_218] : memref<6400000xf32, #tpu.memory_space<hbm>> -> memref<2000xf32, #tpu.memory_space<hbm>>
        tpu.enqueue_dma source(%dma_start3A_232 : memref<2000xf32, #tpu.memory_space<hbm>>) target(%arg14 : memref<2000xf32, #tpu.memory_space<vmem>>) target_semaphore(%arg22 : memref<!tpu.dma_semaphore, #tpu.memory_space<semaphore_mem>>)
        %dma_start3A_233 = tpu.memref_slice %arg3[%add3A_218] : memref<6400000xf32, #tpu.memory_space<hbm>> -> memref<2000xf32, #tpu.memory_space<hbm>>
        %dma_start3A_234 = tpu.memref_slice %arg3[%add3A_218] : memref<6400000xf32, #tpu.memory_space<hbm>> -> memref<2000xf32, #tpu.memory_space<hbm>>
        tpu.enqueue_dma source(%dma_start3A_234 : memref<2000xf32, #tpu.memory_space<hbm>>) target(%arg15 : memref<2000xf32, #tpu.memory_space<vmem>>) target_semaphore(%arg22 : memref<!tpu.dma_semaphore, #tpu.memory_space<semaphore_mem>>)
        %dma_start3A_235 = tpu.memref_slice %arg4[%add3A_218] : memref<6400000xf32, #tpu.memory_space<hbm>> -> memref<2000xf32, #tpu.memory_space<hbm>>
        %dma_start3A_236 = tpu.memref_slice %arg4[%add3A_218] : memref<6400000xf32, #tpu.memory_space<hbm>> -> memref<2000xf32, #tpu.memory_space<hbm>>
        tpu.enqueue_dma source(%dma_start3A_236 : memref<2000xf32, #tpu.memory_space<hbm>>) target(%arg16 : memref<2000xf32, #tpu.memory_space<vmem>>) target_semaphore(%arg22 : memref<!tpu.dma_semaphore, #tpu.memory_space<semaphore_mem>>)
        %dma_start3A_237 = tpu.memref_slice %arg5[%add3A_218] : memref<6400000xf32, #tpu.memory_space<hbm>> -> memref<2000xf32, #tpu.memory_space<hbm>>
        %dma_start3A_238 = tpu.memref_slice %arg5[%add3A_218] : memref<6400000xf32, #tpu.memory_space<hbm>> -> memref<2000xf32, #tpu.memory_space<hbm>>
        tpu.enqueue_dma source(%dma_start3A_238 : memref<2000xf32, #tpu.memory_space<hbm>>) target(%arg17 : memref<2000xf32, #tpu.memory_space<vmem>>) target_semaphore(%arg22 : memref<!tpu.dma_semaphore, #tpu.memory_space<semaphore_mem>>)
      } else {
      }
      %mul3A_153 = arith.constant 2 : i32
      %mul3A_154 = arith.muli %mul3A_153, %scan3A_99 : i32
      %add3A_155 = arith.constant 1 : i32
      %add3A_156 = arith.addi %mul3A_154, %add3A_155 : i32
      %add3A_157 = arith.constant 1 : i32
      %add3A_158 = arith.addi %add3A_156, %add3A_157 : i32
      %lt3A_159 = arith.constant 100 : i32
      %lt3A_160 = arith.cmpi slt, %add3A_158, %lt3A_159 : i32
      %convert_element_type3A_161 = arith.extui %lt3A_160 : i1 to i32
      %cond3A_162 = arith.constant 0 : i32
      %cond3A_163 = arith.cmpi ne, %convert_element_type3A_161, %cond3A_162 : i32
      scf.if %cond3A_163 {
        %dma_wait3A_212 = arith.constant 0 : i32
        %dma_wait3A_213 = tpu.memref_slice %arg6[%dma_wait3A_212] : memref<6400000xi32, #tpu.memory_space<hbm>> -> memref<4000xi32, #tpu.memory_space<hbm>>
        %dma_wait3A_214 = arith.constant 0 : i32
        %dma_wait3A_215 = tpu.memref_slice %arg6[%dma_wait3A_214] : memref<6400000xi32, #tpu.memory_space<hbm>> -> memref<4000xi32, #tpu.memory_space<hbm>>
        tpu.wait_dma2 semaphore(%arg21 : memref<!tpu.dma_semaphore, #tpu.memory_space<semaphore_mem>>) src(%dma_wait3A_215 : memref<4000xi32, #tpu.memory_space<hbm>>) dst(%arg13 : memref<4000xi32, #tpu.memory_space<vmem>>)
        %dma_start3A_216 = arith.constant 0 : i32
        %dma_start3A_217 = tpu.memref_slice %arg11[%dma_start3A_216] : memref<102400xi32, #tpu.memory_space<vmem_shared>> -> memref<102400xi32, #tpu.memory_space<vmem_shared>>
        tpu.enqueue_indirect_dma source(%dma_start3A_217 : memref<102400xi32, #tpu.memory_space<vmem_shared>>) target(%arg18 : memref<4000xi32, #tpu.memory_space<vmem>>) offsets(%arg13 : memref<4000xi32, #tpu.memory_space<vmem>>) semaphore(%arg23 : memref<!tpu.dma_semaphore, #tpu.memory_space<semaphore_mem>>)
        %dma_start3A_218 = arith.constant 0 : i32
        %dma_start3A_219 = tpu.memref_slice %arg12[%dma_start3A_218] : memref<102400xi32, #tpu.memory_space<vmem_shared>> -> memref<102400xi32, #tpu.memory_space<vmem_shared>>
        tpu.enqueue_indirect_dma source(%dma_start3A_219 : memref<102400xi32, #tpu.memory_space<vmem_shared>>) target(%arg19 : memref<4000xi32, #tpu.memory_space<vmem>>) offsets(%arg13 : memref<4000xi32, #tpu.memory_space<vmem>>) semaphore(%arg23 : memref<!tpu.dma_semaphore, #tpu.memory_space<semaphore_mem>>)
      } else {
      }
      %dma_wait3A_164 = arith.constant 0 : i32
      %dma_wait3A_165 = tpu.memref_slice %arg2[%dma_wait3A_164] : memref<6400000xf32, #tpu.memory_space<hbm>> -> memref<2000xf32, #tpu.memory_space<hbm>>
      %dma_wait3A_166 = arith.constant 0 : i32
      %dma_wait3A_167 = tpu.memref_slice %arg2[%dma_wait3A_166] : memref<6400000xf32, #tpu.memory_space<hbm>> -> memref<2000xf32, #tpu.memory_space<hbm>>
      tpu.wait_dma2 semaphore(%arg34 : memref<!tpu.dma_semaphore, #tpu.memory_space<semaphore_mem>>) src(%dma_wait3A_167 : memref<2000xf32, #tpu.memory_space<hbm>>) dst(%arg26 : memref<2000xf32, #tpu.memory_space<vmem>>)
      %dma_wait3A_168 = arith.constant 0 : i32
      %dma_wait3A_169 = tpu.memref_slice %arg2[%dma_wait3A_168] : memref<6400000xf32, #tpu.memory_space<hbm>> -> memref<2000xf32, #tpu.memory_space<hbm>>
      %dma_wait3A_170 = arith.constant 0 : i32
      %dma_wait3A_171 = tpu.memref_slice %arg2[%dma_wait3A_170] : memref<6400000xf32, #tpu.memory_space<hbm>> -> memref<2000xf32, #tpu.memory_space<hbm>>
      tpu.wait_dma2 semaphore(%arg34 : memref<!tpu.dma_semaphore, #tpu.memory_space<semaphore_mem>>) src(%dma_wait3A_171 : memref<2000xf32, #tpu.memory_space<hbm>>) dst(%arg27 : memref<2000xf32, #tpu.memory_space<vmem>>)
      %dma_wait3A_172 = arith.constant 0 : i32
      %dma_wait3A_173 = tpu.memref_slice %arg2[%dma_wait3A_172] : memref<6400000xf32, #tpu.memory_space<hbm>> -> memref<2000xf32, #tpu.memory_space<hbm>>
      %dma_wait3A_174 = arith.constant 0 : i32
      %dma_wait3A_175 = tpu.memref_slice %arg2[%dma_wait3A_174] : memref<6400000xf32, #tpu.memory_space<hbm>> -> memref<2000xf32, #tpu.memory_space<hbm>>
      tpu.wait_dma2 semaphore(%arg34 : memref<!tpu.dma_semaphore, #tpu.memory_space<semaphore_mem>>) src(%dma_wait3A_175 : memref<2000xf32, #tpu.memory_space<hbm>>) dst(%arg28 : memref<2000xf32, #tpu.memory_space<vmem>>)
      %dma_wait3A_176 = arith.constant 0 : i32
      %dma_wait3A_177 = tpu.memref_slice %arg2[%dma_wait3A_176] : memref<6400000xf32, #tpu.memory_space<hbm>> -> memref<2000xf32, #tpu.memory_space<hbm>>
      %dma_wait3A_178 = arith.constant 0 : i32
      %dma_wait3A_179 = tpu.memref_slice %arg2[%dma_wait3A_178] : memref<6400000xf32, #tpu.memory_space<hbm>> -> memref<2000xf32, #tpu.memory_space<hbm>>
      tpu.wait_dma2 semaphore(%arg34 : memref<!tpu.dma_semaphore, #tpu.memory_space<semaphore_mem>>) src(%dma_wait3A_179 : memref<2000xf32, #tpu.memory_space<hbm>>) dst(%arg29 : memref<2000xf32, #tpu.memory_space<vmem>>)
      %dma_wait3A_180 = arith.constant 0 : i32
      %dma_wait3A_181 = tpu.memref_slice %arg6[%dma_wait3A_180] : memref<6400000xi32, #tpu.memory_space<hbm>> -> memref<4000xi32, #tpu.memory_space<hbm>>
      %dma_wait3A_182 = arith.constant 0 : i32
      %dma_wait3A_183 = tpu.memref_slice %arg6[%dma_wait3A_182] : memref<6400000xi32, #tpu.memory_space<hbm>> -> memref<4000xi32, #tpu.memory_space<hbm>>
      tpu.wait_dma2 semaphore(%arg35 : memref<!tpu.dma_semaphore, #tpu.memory_space<semaphore_mem>>) src(%dma_wait3A_183 : memref<4000xi32, #tpu.memory_space<hbm>>) dst(%arg30 : memref<4000xi32, #tpu.memory_space<vmem>>)
      %dma_wait3A_184 = arith.constant 0 : i32
      %dma_wait3A_185 = tpu.memref_slice %arg6[%dma_wait3A_184] : memref<6400000xi32, #tpu.memory_space<hbm>> -> memref<4000xi32, #tpu.memory_space<hbm>>
      %dma_wait3A_186 = arith.constant 0 : i32
      %dma_wait3A_187 = tpu.memref_slice %arg6[%dma_wait3A_186] : memref<6400000xi32, #tpu.memory_space<hbm>> -> memref<4000xi32, #tpu.memory_space<hbm>>
      tpu.wait_dma2 semaphore(%arg35 : memref<!tpu.dma_semaphore, #tpu.memory_space<semaphore_mem>>) src(%dma_wait3A_187 : memref<4000xi32, #tpu.memory_space<hbm>>) dst(%arg31 : memref<4000xi32, #tpu.memory_space<vmem>>)
      %ge3A_188 = arith.constant 2 : i32
      %ge3A_189 = arith.cmpi sge, %add3A_156, %ge3A_188 : i32
      %convert_element_type3A_190 = arith.extui %ge3A_189 : i1 to i32
      %cond3A_191 = arith.constant 0 : i32
      %cond3A_192 = arith.cmpi ne, %convert_element_type3A_190, %cond3A_191 : i32
      scf.if %cond3A_192 {
        %dma_wait3A_212 = arith.constant 0 : i32
        %dma_wait3A_213 = tpu.memref_slice %arg2[%dma_wait3A_212] : memref<6400000xf32, #tpu.memory_space<hbm>> -> memref<2000xf32, #tpu.memory_space<hbm>>
        %dma_wait3A_214 = arith.constant 0 : i32
        %dma_wait3A_215 = tpu.memref_slice %arg2[%dma_wait3A_214] : memref<6400000xf32, #tpu.memory_space<hbm>> -> memref<2000xf32, #tpu.memory_space<hbm>>
        tpu.wait_dma2 semaphore(%arg36 : memref<!tpu.dma_semaphore, #tpu.memory_space<semaphore_mem>>) src(%dma_wait3A_215 : memref<2000xf32, #tpu.memory_space<hbm>>) dst(%arg32 : memref<2000xf32, #tpu.memory_space<vmem>>)
      } else {
      }
      %broadcast_in_dim3A_193 = arith.constant -65536 : i32
      %broadcast_in_dim3A_194 = vector.broadcast %broadcast_in_dim3A_193 : i32 to vector<16xi32>
      %parallel_loop3A_195 = arith.constant 0 : i32
      %parallel_loop3A_196 = arith.constant 125 : i32
      %parallel_loop3A_197 = arith.constant 1 : i32
      scf.for %parallel_loop3A_212 = %parallel_loop3A_195 to %parallel_loop3A_196 step %parallel_loop3A_197  : i32 {
        %parallel_loop3A_213 = arith.constant 16 : i32
        %parallel_loop3A_214 = arith.muli %parallel_loop3A_212, %parallel_loop3A_213 : i32
        %parallel_loop3A_215 = arith.index_cast %parallel_loop3A_214 : i32 to index
        %parallel_loop3A_216 = tpu.vector_load %arg26[%parallel_loop3A_215] {strides = array<i32>} : memref<2000xf32, #tpu.memory_space<vmem>>, vector<16xf32>,
        %parallel_loop3A_217 = vector.shape_cast %parallel_loop3A_216 : vector<16xf32> to vector<16xf32>
        %parallel_loop3A_218 = arith.index_cast %parallel_loop3A_214 : i32 to index
        %parallel_loop3A_219 = tpu.vector_load %arg27[%parallel_loop3A_218] {strides = array<i32>} : memref<2000xf32, #tpu.memory_space<vmem>>, vector<16xf32>,
        %parallel_loop3A_220 = vector.shape_cast %parallel_loop3A_219 : vector<16xf32> to vector<16xf32>
        %parallel_loop3A_221 = arith.index_cast %parallel_loop3A_214 : i32 to index
        %parallel_loop3A_222 = tpu.vector_load %arg28[%parallel_loop3A_221] {strides = array<i32>} : memref<2000xf32, #tpu.memory_space<vmem>>, vector<16xf32>,
        %parallel_loop3A_223 = vector.shape_cast %parallel_loop3A_222 : vector<16xf32> to vector<16xf32>
        %parallel_loop3A_224 = arith.index_cast %parallel_loop3A_214 : i32 to index
        %parallel_loop3A_225 = tpu.vector_load %arg29[%parallel_loop3A_224] {strides = array<i32>} : memref<2000xf32, #tpu.memory_space<vmem>>, vector<16xf32>,
        %parallel_loop3A_226 = vector.shape_cast %parallel_loop3A_225 : vector<16xf32> to vector<16xf32>
        %parallel_loop3A_227 = arith.index_cast %parallel_loop3A_214 : i32 to index
        %parallel_loop3A_228 = tpu.vector_load %arg30[%parallel_loop3A_227] {strides = array<i32>} : memref<4000xi32, #tpu.memory_space<vmem>>, vector<16xi32>,
        %parallel_loop3A_229 = vector.shape_cast %parallel_loop3A_228 : vector<16xi32> to vector<16xi32>
        %parallel_loop3A_230 = arith.index_cast %parallel_loop3A_214 : i32 to index
        %parallel_loop3A_231 = tpu.vector_load %arg31[%parallel_loop3A_230] {strides = array<i32>} : memref<4000xi32, #tpu.memory_space<vmem>>, vector<16xi32>,
        %parallel_loop3A_232 = vector.shape_cast %parallel_loop3A_231 : vector<16xi32> to vector<16xi32>
        %parallel_loop3A_233 = arith.andi %parallel_loop3A_229, %broadcast_in_dim3A_194 : vector<16xi32>
        %parallel_loop3A_234 = tpu.bitcast %parallel_loop3A_233 : vector<16xi32> -> vector<16xf32>
        %parallel_loop3A_235 = arith.constant 16 : i32
        %parallel_loop3A_236 = vector.broadcast %parallel_loop3A_235 : i32 to vector<16xi32>
        %parallel_loop3A_237 = arith.shli %parallel_loop3A_229, %parallel_loop3A_236 : vector<16xi32>
        %parallel_loop3A_238 = tpu.bitcast %parallel_loop3A_237 : vector<16xi32> -> vector<16xf32>
        %parallel_loop3A_239 = arith.andi %parallel_loop3A_232, %broadcast_in_dim3A_194 : vector<16xi32>
        %parallel_loop3A_240 = tpu.bitcast %parallel_loop3A_239 : vector<16xi32> -> vector<16xf32>
        %parallel_loop3A_241 = arith.constant 16 : i32
        %parallel_loop3A_242 = vector.broadcast %parallel_loop3A_241 : i32 to vector<16xi32>
        %parallel_loop3A_243 = arith.shli %parallel_loop3A_232, %parallel_loop3A_242 : vector<16xi32>
        %parallel_loop3A_244 = tpu.bitcast %parallel_loop3A_243 : vector<16xi32> -> vector<16xf32>
        %parallel_loop3A_245 = arith.constant 2000 : i32
        %parallel_loop3A_246 = arith.addi %parallel_loop3A_245, %parallel_loop3A_214 : i32
        %parallel_loop3A_247 = arith.index_cast %parallel_loop3A_246 : i32 to index
        %parallel_loop3A_248 = tpu.vector_load %arg30[%parallel_loop3A_247] {strides = array<i32>} : memref<4000xi32, #tpu.memory_space<vmem>>, vector<16xi32>,
        %parallel_loop3A_249 = vector.shape_cast %parallel_loop3A_248 : vector<16xi32> to vector<16xi32>
        %parallel_loop3A_250 = arith.constant 2000 : i32
        %parallel_loop3A_251 = arith.addi %parallel_loop3A_250, %parallel_loop3A_214 : i32
        %parallel_loop3A_252 = arith.index_cast %parallel_loop3A_251 : i32 to index
        %parallel_loop3A_253 = tpu.vector_load %arg31[%parallel_loop3A_252] {strides = array<i32>} : memref<4000xi32, #tpu.memory_space<vmem>>, vector<16xi32>,
        %parallel_loop3A_254 = vector.shape_cast %parallel_loop3A_253 : vector<16xi32> to vector<16xi32>
        %parallel_loop3A_255 = arith.andi %parallel_loop3A_249, %broadcast_in_dim3A_194 : vector<16xi32>
        %parallel_loop3A_256 = tpu.bitcast %parallel_loop3A_255 : vector<16xi32> -> vector<16xf32>
        %parallel_loop3A_257 = arith.constant 16 : i32
        %parallel_loop3A_258 = vector.broadcast %parallel_loop3A_257 : i32 to vector<16xi32>
        %parallel_loop3A_259 = arith.shli %parallel_loop3A_249, %parallel_loop3A_258 : vector<16xi32>
        %parallel_loop3A_260 = tpu.bitcast %parallel_loop3A_259 : vector<16xi32> -> vector<16xf32>
        %parallel_loop3A_261 = arith.andi %parallel_loop3A_254, %broadcast_in_dim3A_194 : vector<16xi32>
        %parallel_loop3A_262 = tpu.bitcast %parallel_loop3A_261 : vector<16xi32> -> vector<16xf32>
        %parallel_loop3A_263 = arith.constant 16 : i32
        %parallel_loop3A_264 = vector.broadcast %parallel_loop3A_263 : i32 to vector<16xi32>
        %parallel_loop3A_265 = arith.shli %parallel_loop3A_254, %parallel_loop3A_264 : vector<16xi32>
        %parallel_loop3A_266 = tpu.bitcast %parallel_loop3A_265 : vector<16xi32> -> vector<16xf32>
        %parallel_loop3A_267 = arith.constant 5.000000e-01 : f32
        %parallel_loop3A_268 = vector.broadcast %parallel_loop3A_267 : f32 to vector<16xf32>
        %parallel_loop3A_269 = arith.mulf %parallel_loop3A_217, %parallel_loop3A_268 : vector<16xf32>
        %parallel_loop3A_270 = arith.constant 0.000000e+00 : f32
        %parallel_loop3A_271 = arith.constant 1.000000e+00 : f32
        %parallel_loop3A_272 = vector.broadcast %parallel_loop3A_270 : f32 to vector<16xf32>
        %parallel_loop3A_273 = arith.maximumf %parallel_loop3A_272, %parallel_loop3A_269 : vector<16xf32>
        %parallel_loop3A_274 = vector.broadcast %parallel_loop3A_271 : f32 to vector<16xf32>
        %parallel_loop3A_275 = arith.minimumf %parallel_loop3A_274, %parallel_loop3A_273 : vector<16xf32>
        %parallel_loop3A_276 = arith.mulf %parallel_loop3A_275, %parallel_loop3A_275 : vector<16xf32>
        %parallel_loop3A_277 = arith.mulf %parallel_loop3A_276, %parallel_loop3A_275 : vector<16xf32>
        %parallel_loop3A_278 = arith.constant 6.000000e+00 : f32
        %parallel_loop3A_279 = vector.broadcast %parallel_loop3A_278 : f32 to vector<16xf32>
        %parallel_loop3A_280 = arith.mulf %parallel_loop3A_279, %parallel_loop3A_276 : vector<16xf32>
        %parallel_loop3A_281 = arith.constant 1.500000e+01 : f32
        %parallel_loop3A_282 = vector.broadcast %parallel_loop3A_281 : f32 to vector<16xf32>
        %parallel_loop3A_283 = arith.mulf %parallel_loop3A_282, %parallel_loop3A_275 : vector<16xf32>
        %parallel_loop3A_284 = arith.subf %parallel_loop3A_280, %parallel_loop3A_283 : vector<16xf32>
        %parallel_loop3A_285 = arith.constant 1.000000e+01 : f32
        %parallel_loop3A_286 = vector.broadcast %parallel_loop3A_285 : f32 to vector<16xf32>
        %parallel_loop3A_287 = arith.addf %parallel_loop3A_284, %parallel_loop3A_286 : vector<16xf32>
        %parallel_loop3A_288 = arith.mulf %parallel_loop3A_287, %parallel_loop3A_277 : vector<16xf32>
        %parallel_loop3A_289 = arith.constant 1.000000e+00 : f32
        %parallel_loop3A_290 = vector.broadcast %parallel_loop3A_289 : f32 to vector<16xf32>
        %parallel_loop3A_291 = arith.subf %parallel_loop3A_290, %parallel_loop3A_288 : vector<16xf32>
        %parallel_loop3A_292 = arith.constant 1.000000e+00 : f32
        %parallel_loop3A_293 = vector.broadcast %parallel_loop3A_292 : f32 to vector<16xf32>
        %parallel_loop3A_294 = arith.divf %parallel_loop3A_293, %parallel_loop3A_217 : vector<16xf32>
        %parallel_loop3A_295 = arith.mulf %parallel_loop3A_217, %parallel_loop3A_217 : vector<16xf32>
        %parallel_loop3A_296 = arith.constant 1.000000e+00 : f32
        %parallel_loop3A_297 = vector.broadcast %parallel_loop3A_296 : f32 to vector<16xf32>
        %parallel_loop3A_298 = arith.addf %parallel_loop3A_295, %parallel_loop3A_297 : vector<16xf32>
        %parallel_loop3A_299 = tpu.bitcast %parallel_loop3A_298 : vector<16xf32> -> vector<16xi32>
        %parallel_loop3A_300 = arith.constant 1 : i32
        %parallel_loop3A_301 = vector.broadcast %parallel_loop3A_300 : i32 to vector<16xi32>
        %parallel_loop3A_302 = arith.shrui %parallel_loop3A_299, %parallel_loop3A_301 : vector<16xi32>
        %parallel_loop3A_303 = arith.constant 1597463007 : i32
        %parallel_loop3A_304 = vector.broadcast %parallel_loop3A_303 : i32 to vector<16xi32>
        %parallel_loop3A_305 = arith.subi %parallel_loop3A_304, %parallel_loop3A_302 : vector<16xi32>
        %parallel_loop3A_306 = tpu.bitcast %parallel_loop3A_305 : vector<16xi32> -> vector<16xf32>
        %parallel_loop3A_307 = arith.constant 5.000000e-01 : f32
        %parallel_loop3A_308 = vector.broadcast %parallel_loop3A_307 : f32 to vector<16xf32>
        %parallel_loop3A_309 = arith.mulf %parallel_loop3A_308, %parallel_loop3A_298 : vector<16xf32>
        %parallel_loop3A_310 = arith.mulf %parallel_loop3A_309, %parallel_loop3A_306 : vector<16xf32>
        %parallel_loop3A_311 = arith.mulf %parallel_loop3A_310, %parallel_loop3A_306 : vector<16xf32>
        %parallel_loop3A_312 = arith.constant 1.500000e+00 : f32
        %parallel_loop3A_313 = vector.broadcast %parallel_loop3A_312 : f32 to vector<16xf32>
        %parallel_loop3A_314 = arith.subf %parallel_loop3A_313, %parallel_loop3A_311 : vector<16xf32>
        %parallel_loop3A_315 = arith.mulf %parallel_loop3A_306, %parallel_loop3A_314 : vector<16xf32>
        %parallel_loop3A_316 = arith.constant 5.000000e-01 : f32
        %parallel_loop3A_317 = vector.broadcast %parallel_loop3A_316 : f32 to vector<16xf32>
        %parallel_loop3A_318 = arith.mulf %parallel_loop3A_317, %parallel_loop3A_298 : vector<16xf32>
        %parallel_loop3A_319 = arith.mulf %parallel_loop3A_318, %parallel_loop3A_315 : vector<16xf32>
        %parallel_loop3A_320 = arith.mulf %parallel_loop3A_319, %parallel_loop3A_315 : vector<16xf32>
        %parallel_loop3A_321 = arith.constant 1.500000e+00 : f32
        %parallel_loop3A_322 = vector.broadcast %parallel_loop3A_321 : f32 to vector<16xf32>
        %parallel_loop3A_323 = arith.subf %parallel_loop3A_322, %parallel_loop3A_320 : vector<16xf32>
        %parallel_loop3A_324 = arith.mulf %parallel_loop3A_315, %parallel_loop3A_323 : vector<16xf32>
        %parallel_loop3A_325 = arith.mulf %parallel_loop3A_291, %parallel_loop3A_324 : vector<16xf32>
        %parallel_loop3A_326 = arith.constant 1.000000e+00 : f32
        %parallel_loop3A_327 = vector.broadcast %parallel_loop3A_326 : f32 to vector<16xf32>
        %parallel_loop3A_328 = arith.subf %parallel_loop3A_327, %parallel_loop3A_291 : vector<16xf32>
        %parallel_loop3A_329 = arith.mulf %parallel_loop3A_328, %parallel_loop3A_294 : vector<16xf32>
        %parallel_loop3A_330 = arith.addf %parallel_loop3A_325, %parallel_loop3A_329 : vector<16xf32>
        %parallel_loop3A_331 = arith.mulf %parallel_loop3A_330, %parallel_loop3A_330 : vector<16xf32>
        %parallel_loop3A_332 = arith.mulf %parallel_loop3A_331, %parallel_loop3A_330 : vector<16xf32>
        %parallel_loop3A_333 = arith.mulf %parallel_loop3A_220, %parallel_loop3A_260 : vector<16xf32>
        %parallel_loop3A_334 = arith.mulf %parallel_loop3A_223, %parallel_loop3A_262 : vector<16xf32>
        %parallel_loop3A_335 = arith.addf %parallel_loop3A_333, %parallel_loop3A_334 : vector<16xf32>
        %parallel_loop3A_336 = arith.mulf %parallel_loop3A_226, %parallel_loop3A_266 : vector<16xf32>
        %parallel_loop3A_337 = arith.addf %parallel_loop3A_335, %parallel_loop3A_336 : vector<16xf32>
        %parallel_loop3A_338 = arith.mulf %parallel_loop3A_337, %parallel_loop3A_294 : vector<16xf32>
        %parallel_loop3A_339 = arith.mulf %parallel_loop3A_220, %parallel_loop3A_238 : vector<16xf32>
        %parallel_loop3A_340 = arith.mulf %parallel_loop3A_223, %parallel_loop3A_240 : vector<16xf32>
        %parallel_loop3A_341 = arith.addf %parallel_loop3A_339, %parallel_loop3A_340 : vector<16xf32>
        %parallel_loop3A_342 = arith.mulf %parallel_loop3A_226, %parallel_loop3A_244 : vector<16xf32>
        %parallel_loop3A_343 = arith.addf %parallel_loop3A_341, %parallel_loop3A_342 : vector<16xf32>
        %parallel_loop3A_344 = arith.mulf %parallel_loop3A_343, %parallel_loop3A_294 : vector<16xf32>
        %parallel_loop3A_345 = arith.mulf %parallel_loop3A_238, %parallel_loop3A_260 : vector<16xf32>
        %parallel_loop3A_346 = arith.mulf %parallel_loop3A_240, %parallel_loop3A_262 : vector<16xf32>
        %parallel_loop3A_347 = arith.addf %parallel_loop3A_345, %parallel_loop3A_346 : vector<16xf32>
        %parallel_loop3A_348 = arith.mulf %parallel_loop3A_244, %parallel_loop3A_266 : vector<16xf32>
        %parallel_loop3A_349 = arith.addf %parallel_loop3A_347, %parallel_loop3A_348 : vector<16xf32>
        %parallel_loop3A_350 = arith.mulf %parallel_loop3A_234, %parallel_loop3A_256 : vector<16xf32>
        %parallel_loop3A_351 = arith.constant 1.000000e-01 : f32
        %parallel_loop3A_352 = vector.broadcast %parallel_loop3A_351 : f32 to vector<16xf32>
        %parallel_loop3A_353 = arith.subf %parallel_loop3A_330, %parallel_loop3A_352 : vector<16xf32>
        %parallel_loop3A_354 = arith.mulf %parallel_loop3A_350, %parallel_loop3A_353 : vector<16xf32>
        %parallel_loop3A_355 = arith.constant 2.000000e+00 : f32
        %parallel_loop3A_356 = vector.broadcast %parallel_loop3A_355 : f32 to vector<16xf32>
        %parallel_loop3A_357 = arith.mulf %parallel_loop3A_356, %parallel_loop3A_234 : vector<16xf32>
        %parallel_loop3A_358 = arith.mulf %parallel_loop3A_357, %parallel_loop3A_338 : vector<16xf32>
        %parallel_loop3A_359 = arith.constant 0.00999999977 : f32
        %parallel_loop3A_360 = vector.broadcast %parallel_loop3A_359 : f32 to vector<16xf32>
        %parallel_loop3A_361 = arith.subf %parallel_loop3A_331, %parallel_loop3A_360 : vector<16xf32>
        %parallel_loop3A_362 = arith.mulf %parallel_loop3A_358, %parallel_loop3A_361 : vector<16xf32>
        %parallel_loop3A_363 = arith.addf %parallel_loop3A_354, %parallel_loop3A_362 : vector<16xf32>
        %parallel_loop3A_364 = arith.constant 3.000000e+00 : f32
        %parallel_loop3A_365 = vector.broadcast %parallel_loop3A_364 : f32 to vector<16xf32>
        %parallel_loop3A_366 = arith.mulf %parallel_loop3A_365, %parallel_loop3A_338 : vector<16xf32>
        %parallel_loop3A_367 = arith.mulf %parallel_loop3A_366, %parallel_loop3A_344 : vector<16xf32>
        %parallel_loop3A_368 = arith.subf %parallel_loop3A_349, %parallel_loop3A_367 : vector<16xf32>
        %parallel_loop3A_369 = arith.constant 1.000000e-03 : f32
        %parallel_loop3A_370 = vector.broadcast %parallel_loop3A_369 : f32 to vector<16xf32>
        %parallel_loop3A_371 = arith.subf %parallel_loop3A_332, %parallel_loop3A_370 : vector<16xf32>
        %parallel_loop3A_372 = arith.mulf %parallel_loop3A_368, %parallel_loop3A_371 : vector<16xf32>
        %parallel_loop3A_373 = arith.addf %parallel_loop3A_363, %parallel_loop3A_372 : vector<16xf32>
        %parallel_loop3A_374 = arith.constant 7.1998229 : f32
        %parallel_loop3A_375 = vector.broadcast %parallel_loop3A_374 : f32 to vector<16xf32>
        %parallel_loop3A_376 = arith.mulf %parallel_loop3A_375, %parallel_loop3A_373 : vector<16xf32>
        %parallel_loop3A_377 = arith.constant 1.000000e+01 : f32
        %parallel_loop3A_378 = vector.broadcast %parallel_loop3A_377 : f32 to vector<16xf32>
        %parallel_loop3A_379 = arith.cmpf ole, %parallel_loop3A_217, %parallel_loop3A_378 : vector<16xf32>
        %parallel_loop3A_380 = arith.constant 0.000000e+00 : f32
        %parallel_loop3A_381 = vector.broadcast %parallel_loop3A_380 : f32 to vector<16xf32>
        %parallel_loop3A_382 = arith.select %parallel_loop3A_379, %parallel_loop3A_376, %parallel_loop3A_381 : vector<16xi1>, vector<16xf32>
        %parallel_loop3A_383 = arith.index_cast %parallel_loop3A_214 : i32 to index
        %parallel_loop3A_384 = tpu.vector_load %arg32[%parallel_loop3A_383] {strides = array<i32>} : memref<2000xf32, #tpu.memory_space<vmem>>, vector<16xf32>,
        %parallel_loop3A_385 = vector.shape_cast %parallel_loop3A_384 : vector<16xf32> to vector<16xf32>
        %parallel_loop3A_386 = vector.shape_cast %parallel_loop3A_382 : vector<16xf32> to vector<16xf32>
        tpu.vector_store %arg32[%parallel_loop3A_383], %parallel_loop3A_386 {strides = array<i32>} : memref<2000xf32, #tpu.memory_space<vmem>>, vector<16xf32>,
      } {sc.loop_unroll_factor = 2 : i64, sc.parallel_access}
      %mul3A_198 = arith.constant 200000 : i32
      %mul3A_199 = arith.muli %add3A, %mul3A_198 : i32
      %mul3A_200 = arith.constant 2000 : i32
      %mul3A_201 = arith.muli %add3A_156, %mul3A_200 : i32
      %add3A_202 = arith.addi %mul3A_199, %mul3A_201 : i32
      %dma_start3A_203 = tpu.memref_slice %arg10[%add3A_202] : memref<6400000xf32, #tpu.memory_space<hbm>> -> memref<2000xf32, #tpu.memory_space<hbm>>
      %dma_start3A_204 = tpu.memref_slice %arg10[%add3A_202] : memref<6400000xf32, #tpu.memory_space<hbm>> -> memref<2000xf32, #tpu.memory_space<hbm>>
      tpu.enqueue_dma source(%arg32 : memref<2000xf32, #tpu.memory_space<vmem>>) target(%dma_start3A_204 : memref<2000xf32, #tpu.memory_space<hbm>>) target_semaphore(%arg36 : memref<!tpu.dma_semaphore, #tpu.memory_space<semaphore_mem>>)
      %add3A_205 = arith.constant 2 : i32
      %add3A_206 = arith.addi %add3A_156, %add3A_205 : i32
      %lt3A_207 = arith.constant 100 : i32
      %lt3A_208 = arith.cmpi slt, %add3A_206, %lt3A_207 : i32
      %convert_element_type3A_209 = arith.extui %lt3A_208 : i1 to i32
      %cond3A_210 = arith.constant 0 : i32
      %cond3A_211 = arith.cmpi ne, %convert_element_type3A_209, %cond3A_210 : i32
      scf.if %cond3A_211 {
        %add3A_212 = arith.constant 2 : i32
        %add3A_213 = arith.addi %add3A_156, %add3A_212 : i32
        %mul3A_214 = arith.constant 200000 : i32
        %mul3A_215 = arith.muli %add3A, %mul3A_214 : i32
        %mul3A_216 = arith.constant 2000 : i32
        %mul3A_217 = arith.muli %add3A_213, %mul3A_216 : i32
        %add3A_218 = arith.addi %mul3A_215, %mul3A_217 : i32
        %dma_start3A_219 = arith.constant 0 : i32
        %dma_start3A_220 = tpu.memref_slice %arg25[%dma_start3A_219] : memref<4000xi32, #tpu.memory_space<vmem>> -> memref<2000xi32, #tpu.memory_space<vmem>>
        %dma_start3A_221 = tpu.memref_slice %arg6[%add3A_218] : memref<6400000xi32, #tpu.memory_space<hbm>> -> memref<2000xi32, #tpu.memory_space<hbm>>
        %dma_start3A_222 = arith.constant 0 : i32
        %dma_start3A_223 = tpu.memref_slice %arg25[%dma_start3A_222] : memref<4000xi32, #tpu.memory_space<vmem>> -> memref<2000xi32, #tpu.memory_space<vmem>>
        %dma_start3A_224 = tpu.memref_slice %arg6[%add3A_218] : memref<6400000xi32, #tpu.memory_space<hbm>> -> memref<2000xi32, #tpu.memory_space<hbm>>
        tpu.enqueue_dma source(%dma_start3A_224 : memref<2000xi32, #tpu.memory_space<hbm>>) target(%dma_start3A_223 : memref<2000xi32, #tpu.memory_space<vmem>>) target_semaphore(%arg33 : memref<!tpu.dma_semaphore, #tpu.memory_space<semaphore_mem>>)
        %dma_start3A_225 = arith.constant 2000 : i32
        %dma_start3A_226 = tpu.memref_slice %arg25[%dma_start3A_225] : memref<4000xi32, #tpu.memory_space<vmem>> -> memref<2000xi32, #tpu.memory_space<vmem>>
        %dma_start3A_227 = tpu.memref_slice %arg7[%add3A_218] : memref<6400000xi32, #tpu.memory_space<hbm>> -> memref<2000xi32, #tpu.memory_space<hbm>>
        %dma_start3A_228 = arith.constant 2000 : i32
        %dma_start3A_229 = tpu.memref_slice %arg25[%dma_start3A_228] : memref<4000xi32, #tpu.memory_space<vmem>> -> memref<2000xi32, #tpu.memory_space<vmem>>
        %dma_start3A_230 = tpu.memref_slice %arg7[%add3A_218] : memref<6400000xi32, #tpu.memory_space<hbm>> -> memref<2000xi32, #tpu.memory_space<hbm>>
        tpu.enqueue_dma source(%dma_start3A_230 : memref<2000xi32, #tpu.memory_space<hbm>>) target(%dma_start3A_229 : memref<2000xi32, #tpu.memory_space<vmem>>) target_semaphore(%arg33 : memref<!tpu.dma_semaphore, #tpu.memory_space<semaphore_mem>>)
        %dma_start3A_231 = tpu.memref_slice %arg2[%add3A_218] : memref<6400000xf32, #tpu.memory_space<hbm>> -> memref<2000xf32, #tpu.memory_space<hbm>>
        %dma_start3A_232 = tpu.memref_slice %arg2[%add3A_218] : memref<6400000xf32, #tpu.memory_space<hbm>> -> memref<2000xf32, #tpu.memory_space<hbm>>
        tpu.enqueue_dma source(%dma_start3A_232 : memref<2000xf32, #tpu.memory_space<hbm>>) target(%arg26 : memref<2000xf32, #tpu.memory_space<vmem>>) target_semaphore(%arg34 : memref<!tpu.dma_semaphore, #tpu.memory_space<semaphore_mem>>)
        %dma_start3A_233 = tpu.memref_slice %arg3[%add3A_218] : memref<6400000xf32, #tpu.memory_space<hbm>> -> memref<2000xf32, #tpu.memory_space<hbm>>
        %dma_start3A_234 = tpu.memref_slice %arg3[%add3A_218] : memref<6400000xf32, #tpu.memory_space<hbm>> -> memref<2000xf32, #tpu.memory_space<hbm>>
        tpu.enqueue_dma source(%dma_start3A_234 : memref<2000xf32, #tpu.memory_space<hbm>>) target(%arg27 : memref<2000xf32, #tpu.memory_space<vmem>>) target_semaphore(%arg34 : memref<!tpu.dma_semaphore, #tpu.memory_space<semaphore_mem>>)
        %dma_start3A_235 = tpu.memref_slice %arg4[%add3A_218] : memref<6400000xf32, #tpu.memory_space<hbm>> -> memref<2000xf32, #tpu.memory_space<hbm>>
        %dma_start3A_236 = tpu.memref_slice %arg4[%add3A_218] : memref<6400000xf32, #tpu.memory_space<hbm>> -> memref<2000xf32, #tpu.memory_space<hbm>>
        tpu.enqueue_dma source(%dma_start3A_236 : memref<2000xf32, #tpu.memory_space<hbm>>) target(%arg28 : memref<2000xf32, #tpu.memory_space<vmem>>) target_semaphore(%arg34 : memref<!tpu.dma_semaphore, #tpu.memory_space<semaphore_mem>>)
        %dma_start3A_237 = tpu.memref_slice %arg5[%add3A_218] : memref<6400000xf32, #tpu.memory_space<hbm>> -> memref<2000xf32, #tpu.memory_space<hbm>>
        %dma_start3A_238 = tpu.memref_slice %arg5[%add3A_218] : memref<6400000xf32, #tpu.memory_space<hbm>> -> memref<2000xf32, #tpu.memory_space<hbm>>
        tpu.enqueue_dma source(%dma_start3A_238 : memref<2000xf32, #tpu.memory_space<hbm>>) target(%arg29 : memref<2000xf32, #tpu.memory_space<vmem>>) target_semaphore(%arg34 : memref<!tpu.dma_semaphore, #tpu.memory_space<semaphore_mem>>)
      } else {
      }
    }
    %scan3A_90 = arith.constant 50 : i32
    %dma_wait3A_91 = arith.constant 0 : i32
    %dma_wait3A_92 = tpu.memref_slice %arg2[%dma_wait3A_91] : memref<6400000xf32, #tpu.memory_space<hbm>> -> memref<2000xf32, #tpu.memory_space<hbm>>
    %dma_wait3A_93 = arith.constant 0 : i32
    %dma_wait3A_94 = tpu.memref_slice %arg2[%dma_wait3A_93] : memref<6400000xf32, #tpu.memory_space<hbm>> -> memref<2000xf32, #tpu.memory_space<hbm>>
    tpu.wait_dma2 semaphore(%arg24 : memref<!tpu.dma_semaphore, #tpu.memory_space<semaphore_mem>>) src(%dma_wait3A_94 : memref<2000xf32, #tpu.memory_space<hbm>>) dst(%arg20 : memref<2000xf32, #tpu.memory_space<vmem>>)
    %dma_wait3A_95 = arith.constant 0 : i32
    %dma_wait3A_96 = tpu.memref_slice %arg2[%dma_wait3A_95] : memref<6400000xf32, #tpu.memory_space<hbm>> -> memref<2000xf32, #tpu.memory_space<hbm>>
    %dma_wait3A_97 = arith.constant 0 : i32
    %dma_wait3A_98 = tpu.memref_slice %arg2[%dma_wait3A_97] : memref<6400000xf32, #tpu.memory_space<hbm>> -> memref<2000xf32, #tpu.memory_space<hbm>>
    tpu.wait_dma2 semaphore(%arg36 : memref<!tpu.dma_semaphore, #tpu.memory_space<semaphore_mem>>) src(%dma_wait3A_98 : memref<2000xf32, #tpu.memory_space<hbm>>) dst(%arg32 : memref<2000xf32, #tpu.memory_space<vmem>>)
    return
  }
}

</mosaic_0001>

<sc_bundles>
// kernel: kernel.3.cloned.1.call-start
scs
__scs_entry_jumppad:
0x0: {  	(pc) =	sbr.rel $0x88, $3  }
0x1: {  	(tag) =	ssettag $0x0;
	lr =	simm.s32 $0x1  }
0x2: {  	[smem:$0x3F9B] =	sst lr;
	_ =	strace $0xD0000000  }
0x3: {  	_ = 	snop  }
0x4: {  	_ = 	snop  }
0x5: {  	_ = 	snop  }
0x6: {  	_ = 	snop  }
0x7: {  	_ = 	snop  }
__scs_overlays_trampoline_lowered:
0x8: {  	[smem:$0x3FAA] =	sst s0  }
0x9: {  	[smem:$0x3FAB] =	sst s1  }
0xa: {  	[smem:$0x3FAC] =	sst s2  }
0xb: {  	[smem:$0x3FAD] =	sst s3  }
0xc: {  	[smem:$0x3FAE] =	sst s4  }
0xd: {  	[smem:$0x3FAF] =	sst s5  }
0xe: {  	[smem:$0x3FB0] =	sst s6  }
0xf: {  	[smem:$0x3FB1] =	sst s7  }
0x10: {  	[smem:$0x3FB2] =	sst s8  }
0x11: {  	[smem:$0x3FB3] =	sst s9;
	s0 =	simm.s32 @!p0 $0x0  }
0x12: {  	s1 =	sld [smem:$0x3F99];
	s0 =	simm.s32 @p0 $0x1  }
0x13: {  	[smem:$0x3FB4] =	sst s0;
	s0 =	simm.s32 @!p1 $0x0  }
0x14: {  	s2 =	sld [smem:$0x3F98];
	s0 =	simm.s32 @p1 $0x1  }
0x15: {  	[smem:$0x3FB5] =	sst s0;
	s0 =	simm.s32 @!p2 $0x0  }
0x16: {  	s3 =	sld [smem:$0x3FDB];
	s0 =	simm.s32 @p2 $0x1  }
0x17: {  	s4 =	simm.s32 $0x1BF5;
	[smem:$0x3FB7] =	sst s0  }
0x18: {  	s0 =	sld [smem:$0x3F9A];
	_ =	swait.ge [sflag:s4], $0x0  }
0x19: {  	s7 =	sld [smem:$0x3F9B]  }
0x1a: {  	s8 =	sadd.s32 $0xFFFFE003, lr  }
0x1b: {  	s9 =	sadd.s32 $0xFFFFFEF7, lr;
	s5 =	simm.s32 $0xFFFFFFFF;
	p2 =	slt.u32 s8, $0xFFFFF086  }
0x1c: {  	p1 =	slt.u32 s9, $0xF7A;
	s5 =	simm.s32 @!p2 $0x0  }
0x1d: {  	s5 =	simm.s32 @p1 $0x1;
	p0 =	seq.s32 s7, s2  }
0x1e: {  	s7 =	smul.u32 @!p0 $0xF7A, s2;
	p2 =	seq.s32 @!p0 s5, $0x0  }
0x1f: {  	s9 =	smul.u32 $0xF7A, s1;
	s8 =	simm.s32 @!p0 $0x1BF5;
	p2 =	por !p2, p0  }
0x20: {  	[sflag:s8] =	ssyncset.s32 @!p0 $0xFFFFF086;
	s6 =	sadd.s32 @!p0 s3, s7;
	s7 =	simm.s32 @!p0 $0x108  }
0x21: {  	s3 =	sadd.s32 s3, s9;
	s6 =	sadd.s32 @!p0 $0x88, s6;
	s7 =	simm.s32 @p2 $0x1082  }
0x22: {  	[simem:s7], [sflag:s8] =	dma.local @!p0 [hbm:s6], $0xF7A  }
0x23: {  	s9 =	sor.u32 $0xD0000000, s2;
	s6 =	simm.s32 $0x108;
	_ =	swait.ge @!p0 [sflag:s8], $0x0  }
0x24: {  	s3 =	sadd.s32 $0x88, s3;
	s6 =	simm.s32 @!p1 $0x1082;
	[sflag:s4] =	ssyncset.s32 $0xFFFFF086  }
0x25: {  	[simem:s6], [sflag:s4] =	dma.local [hbm:s3], $0xF7A  }
0x26: {  	[smem:$0x3F9B] =	sst s1;
	(tag) =	ssettag s2;
	_ =	strace s9  }
0x27: {  	s1 =	sld [smem:$0x3FAB]  }
0x28: {  	s2 =	sld [smem:$0x3FAC]  }
0x29: {  	s4 =	sld [smem:$0x3FAE]  }
0x2a: {  	p0 =	seq.s32 s5, $0x0;
	s5 =	sld [smem:$0x3FAF]  }
0x2b: {  	s6 =	sld [smem:$0x3FB0]  }
0x2c: {  	s7 =	sld [smem:$0x3FB1]  }
0x2d: {  	s3 =	simm.s32 $0x108;
	s8 =	sld [smem:$0x3FB2]  }
0x2e: {  	s3 =	simm.s32 @!p0 $0x1082;
	s9 =	sld [smem:$0x3FB3]  }
0x2f: {  	lr =	sadd.s32 s0, s3;
	s0 =	sld [smem:$0x3FAA]  }
0x30: {  	s3 =	sld [smem:$0x3FAD]  }
0x31: {  	[smem:$0x3FB6] =	sst s10  }
0x32: {  	s10 =	sld [smem:$0x3FB4];
	_ =	sdelay $0x3  }
0x33: {  	p0 =	seq.s32 s10, $0x1;
	s10 =	sld [smem:$0x3FB6];
	_ =	sdelay $0x3  }
0x34: {  	[smem:$0x3FB6] =	sst s10  }
0x35: {  	s10 =	sld [smem:$0x3FB5];
	_ =	sdelay $0x3  }
0x36: {  	p1 =	seq.s32 s10, $0x1;
	s10 =	sld [smem:$0x3FB6];
	_ =	sdelay $0x3  }
0x37: {  	[smem:$0x3FB6] =	sst s10  }
0x38: {  	s10 =	sld [smem:$0x3FB7]  }
0x39: {  	_ = 	snop;
	(pc) =	sbr.ind lr, $3  }
0x3a: {  	_ = 	snop  }
0x3b: {  	_ = 	snop  }
0x3c: {  	p2 =	seq.s32 s10, $0x1;
	s10 =	sld [smem:$0x3FB6]  }
0x3d: {  	_ =	shalt  }
0x3e: {  	_ =	shalt  }
0x3f: {  	_ =	shalt  }
0x40: {  	_ =	shalt  }
0x41: {  	_ =	shalt  }
0x42: {  	_ =	shalt  }
0x43: {  	_ =	shalt  }
0x44: {  	_ =	shalt  }
0x45: {  	_ =	shalt  }
0x46: {  	_ =	shalt  }
0x47: {  	_ =	shalt  }
0x48: {  	_ =	shalt  }
0x49: {  	_ =	shalt  }
0x4a: {  	_ =	shalt  }
0x4b: {  	_ =	shalt  }
0x4c: {  	_ =	shalt  }
0x4d: {  	_ =	shalt  }
0x4e: {  	_ =	shalt  }
0x4f: {  	_ =	shalt  }
0x50: {  	_ =	shalt  }
0x51: {  	_ =	shalt  }
0x52: {  	_ =	shalt  }
0x53: {  	_ =	shalt  }
0x54: {  	_ =	shalt  }
0x55: {  	_ =	shalt  }
0x56: {  	_ =	shalt  }
0x57: {  	_ =	shalt  }
0x58: {  	_ =	shalt  }
0x59: {  	_ =	shalt  }
0x5a: {  	_ =	shalt  }
0x5b: {  	_ =	shalt  }
0x5c: {  	_ =	shalt  }
0x5d: {  	_ =	shalt  }
0x5e: {  	_ =	shalt  }
0x5f: {  	_ =	shalt  }
0x60: {  	_ =	shalt  }
0x61: {  	_ =	shalt  }
0x62: {  	_ =	shalt  }
0x63: {  	_ =	shalt  }
0x64: {  	_ =	shalt  }
0x65: {  	_ =	shalt  }
0x66: {  	_ =	shalt  }
0x67: {  	_ =	shalt  }
0x68: {  	_ =	shalt  }
0x69: {  	_ =	shalt  }
0x6a: {  	_ =	shalt  }
0x6b: {  	_ =	shalt  }
0x6c: {  	_ =	shalt  }
0x6d: {  	_ =	shalt  }
0x6e: {  	_ =	shalt  }
0x6f: {  	_ =	shalt  }
0x70: {  	_ =	shalt  }
0x71: {  	_ =	shalt  }
0x72: {  	_ =	shalt  }
0x73: {  	_ =	shalt  }
0x74: {  	_ =	shalt  }
0x75: {  	_ =	shalt  }
0x76: {  	_ =	shalt  }
0x77: {  	_ =	shalt  }
0x78: {  	_ =	shalt  }
0x79: {  	_ =	shalt  }
0x7a: {  	_ =	shalt  }
0x7b: {  	_ =	shalt  }
0x7c: {  	_ =	shalt  }
0x7d: {  	_ =	shalt  }
0x7e: {  	_ =	shalt  }
0x7f: {  	_ =	shalt  }
0x80: {  	_ =	shalt  }
0x81: {  	_ =	shalt  }
0x82: {  	_ =	shalt  }
0x83: {  	_ =	shalt  }
0x84: {  	_ =	shalt  }
0x85: {  	_ =	shalt  }
0x86: {  	_ =	shalt  }
0x87: {  	_ =	shalt  }
.Lfunc_end0:
.L_simem_size_0:
called_computation_lowered:
.L_overlay_start_0:
0x88: {  	s2 =	sld [smem:$0x3FD9]  }
0x89: {  	s3 =	sld [smem:$0x3FFE];
	_ =	sdelay $0x1  }
0x8a: {  	s1 =	srdreg.scid  }
0x8b: {  	s0 =	sand.u32 $0x1, s1  }
0x8c: {  	s17 =	sshll.u32 s0, $0xA;
	s2 =	sadd.s32 s3, s2  }
0x8d: {  	s2 =	sadd.s32 s2, s17  }
0x8e: {  	[smem:$0x3FC2] =	sst s2  }
0x8f: {  	_ = 	snop  }
0x90: {  	s2 =	sld [smem:$0x3FC9]  }
0x91: {  	s18 =	sld [smem:$0x3FC7]  }
0x92: {  	s4 =	sld [smem:$0x3FC6]  }
0x93: {  	s5 =	sld [smem:$0x3FD0];
	(tm) =	ssettm $0x1  }
0x94: {  	s6 =	sld [smem:$0x3FFB];
	_ =	sdelay $0x3  }
0x95: {  	_ =	strace s6  }
0x96: {  	s6 =	sld [smem:$0x3FFC];
	_ =	sdelay $0x3  }
0x97: {  	_ =	strace s6  }
0x98: {  	s6 =	sld [smem:$0x3FFD];
	_ =	sdelay $0x3  }
0x99: {  	_ =	strace s6  }
0x9a: {  	_ =	strace $0x8FFFFFFF  }
0x9b: {  	s19 =	sld [smem:$0x3FDB];
	_ =	sdelay $0x1  }
0x9c: {  	s7 =	simm.s32 $_scs_section_size  }
0x9d: {  	s8 =	simm.s32 $_size__tile_overlayer_lowered;
	s9 =	simm.s32 $_tile_overlayer_lowered  }
0x9e: {  	s22 =	simm.s32 $0x1BFF;
	s21 =	sshll.u32 s9, $0x1;
	s6 =	sadd.s32 s7, s19  }
0x9f: {  	s10 =	simm.s32 $0x0;
	s20 =	sshll.u32 s8, $0x1;
	s8 =	sadd.s32 s21, s6  }
0xa0: {  	[timem:s10], [sflag:s22] =	dma.local [hbm:s8], s20  }
0xa1: {  	_ =	swait.ge [sflag:s22], s20  }
0xa2: {  	s7 =	ssub.s32 $0x0, s20;
	[sflag:s22] =	ssyncset.done $0x0  }
0xa3: {  	[sflag:s22] =	ssyncadd.s32 s7;
	_ =	sdelay $0x1  }
0xa4: {  	s23 =	simm.s32 $0x1B8B  }
0xa5: {  	_ =	swait.ge [sflag:s23], $0x1  }
0xa6: {  	[sflag:s23] =	ssyncset.done $0x0  }
0xa7: {  	s25 =	simm.s32 $0x1B8E;
	s24 =	sld [smem:$0x3FFE];
	[sflag:s23] =	ssyncadd.s32 $0xFFFFFFFF  }
0xa8: {  	s26 =	simm.s32 $execute0_lowered;
	[smem:$0x3FD2] =	sst s25  }
0xa9: {  	s8 =	sshll.u32 s26, $0x1;
	_ =	strace $0x80000046;
	[dreg:$0x1] =	wrdreg $0xFFFFFFFF  }
0xaa: {  	s28 =	simm.s32 $_size_execute0_lowered;
	s6 =	sadd.s32 s6, s8;
	[dreg:$0x0] =	wrdreg $0x0  }
0xab: {  	s8 =	sshll.u32 s28, $0x1;
	[dreg:$0x2] =	wrdreg s6  }
0xac: {  	[dreg:$0x3] =	wrdreg s8  }
0xad: {  	[dreg:$0x4] =	wrdreg $0xC0  }
0xae: {  	_ =	task [dreg:s10], $0x5FFFF  }
0xaf: {  	[dreg:$0x1] =	wrdreg $0xFFFFFFFF  }
0xb0: {  	[dreg:$0x0] =	wrdreg $0x60  }
0xb1: {  	[dreg:$0x2] =	wrdreg s2  }
0xb2: {  	[dreg:$0x3] =	wrdreg s24  }
0xb3: {  	[dreg:$0x4] =	wrdreg s18  }
0xb4: {  	[dreg:$0x5] =	wrdreg s4  }
0xb5: {  	[dreg:$0x6] =	wrdreg s5  }
0xb6: {  	[dreg:$0x7] =	wrdreg $0x0  }
0xb7: {  	[dreg:$0x8] =	wrdreg $0x19000  }
0xb8: {  	[dreg:$0x9] =	wrdreg $0x9  }
0xb9: {  	_ =	task.clear_ibuf [dreg:s10], $0xAFFFF;
	_ =	strace $0x90000046  }
0xba: {  	s29 =	simm.s32 $0x9;
	_ =	strace $0x80000048  }
0xbb: {  	_ =	swait.ge [sflag:s29], $0x1  }
0xbc: {  	[sflag:s29] =	ssyncadd.s32 $0xFFFFFFFF  }
0xbd: {  	_ =	strace $0x90000048  }
0xbe: {  	_ =	sfence  }
0xbf: {  	s30 =	sld [smem:$0x0];
	_ =	sdelay $0x2  }
0xc0: {  	s31 =	sshll.u32 s1, $0xD;
	s1 =	sshrl.u32 s1, $0x2  }
0xc1: {  	s3 =	sand.u32 $0x4000, s31;
	s1 =	sadd.s32 s1, s30  }
0xc2: {  	s0 =	sor.u32 s3, s0;
	s1 =	sshll.u32 s1, $0x11  }
0xc3: {  	s0 =	sor.u32 s1, s0  }
0xc4: {  	s0 =	sadd.s32 $0x8F2B, s0  }
0xc5: {  	[sflag:s0] =	ssyncadd.remote.s32 $0x1  }
0xc6: {  	_ =	sfence.sel $0xFFFF  }
0xc7: {  	[dreg:$0x0] =	wrdreg $0xFFFFFFFF;
	(pc) =	sbr.abs _section_cstart, $3  }
0xc8: {  	[dreg:$0x1] =	wrdreg $0xFFFFFFFF  }
0xc9: {  	_ =	task.clear_ibuf [dreg:s10], $0x2FFFF;
	_ =	strace $0x9FFFFFFF  }
0xca: {  	(tm) =	ssettm $0x7FFFFFFF  }
0xcb: {  	_ =	shalt  }
tec
execute0_lowered:
.L_overlay_start_1:
0x0: {  	(tag) =	ssettag $0x1  }
0x1: {  	s21 =	rddreg [dreg:$0x0]  }
0x2: {  	s0 =	rddreg [dreg:$0x1]  }
0x3: {  	s2 =	rddreg [dreg:$0x2]  }
0x4: {  	s22 =	rddreg [dreg:$0x3]  }
0x5: {  	s5 =	rddreg [dreg:$0x5]  }
0x6: {  	s6 =	rddreg [dreg:$0x6];
	s8 =	simm.s32 $0x0;
	s1 =	srdreg.scid  }
0x7: {  	s3 =	stileid.u32;
	[smem:$0x7FF] =	sst s8;
	s1 =	sand.u32 $0x1, s1  }
0x8: {  	s7 =	smul.u32 $0x1900, s3;
	s10 =	sadd.s32 $0x24DA00, s0;
	s11 =	ssub.s32 $0x2, s1  }
0x9: {  	s12 =	sadd.s32 $0x600, s0;
	_ =	strace $0x80000047;
	s13 =	sshrl.u32 s11, $0x1  }
0xa: {  	s14 =	sshrl.u32 s7, $0x3;
	s15 =	sadd.s32 $0xC80, s7;
	s24 =	sadd.s32 s7, s5  }
0xb: {  	s16 =	sadd.s32 $0x12C0, s7;
	s25 =	sadd.s32 s7, s6;
	[dreg:$0x10] =	wrdreg s24  }
0xc: {  	s11 =	ssub.s32 s11, s13;
	s4 =	sadd.s32 s10, s14;
	[dreg:$0x11] =	wrdreg s25  }
0xd: {  	s13 =	sadd.s32 $0x640, s7;
	s14 =	sadd.s32 s12, s14;
	[dreg:$0x8] =	wrdreg s4  }
0xe: {  	s18 =	sshrl.u32 s15, $0x3;
	s7 =	sadd.s32 s16, s6;
	[dreg:$0xc] =	wrdreg s14  }
0xf: {  	s29 =	sadd.s32 s10, s18;
	[dreg:$0x17] =	wrdreg s7  }
0x10: {  	s19 =	sshrl.u32 s16, $0x3;
	s20 =	sadd.s32 s12, s18;
	[dreg:$0xa] =	wrdreg s29  }
0x11: {  	s23 =	sadd.s32 s12, s19;
	[dreg:$0xe] =	wrdreg s20  }
0x12: {  	s26 =	sadd.s32 s13, s5;
	[dreg:$0xf] =	wrdreg s23  }
0x13: {  	s17 =	sshrl.u32 s13, $0x3;
	s4 =	sadd.s32 s16, s5;
	[dreg:$0x12] =	wrdreg s26  }
0x14: {  	s28 =	sadd.s32 s10, s17;
	[dreg:$0x16] =	wrdreg s4  }
0x15: {  	s31 =	simm.s32 $0xFA0;
	s10 =	sadd.s32 s10, s19;
	[dreg:$0x9] =	wrdreg s28  }
0x16: {  	s1 =	sshll.u32 s1, $0x4;
	s17 =	sadd.s32 s12, s17;
	[dreg:$0xb] =	wrdreg s10  }
0x17: {  	s1 =	sor.u32 s3, s1;
	s29 =	sadd.s32 s15, s5;
	[dreg:$0xd] =	wrdreg s17  }
0x18: {  	s20 =	smul.u32 $0x30D40, s1;
	s1 =	sadd.s32 s15, s6;
	[dreg:$0x14] =	wrdreg s29  }
0x19: {  	s30 =	simm.s32 $0x6;
	s28 =	sadd.s32 s13, s6;
	[dreg:$0x15] =	wrdreg s1  }
0x1a: {  	s29 =	smax.u32 s11, $0x1;
	[dreg:$0x13] =	wrdreg s28;
	s3 =	sshrl.u32 s20, $0x3  }
0x1b: {  	s9 =	sadd.s32 $0x18A400, s0;
	[smem:$0x7FD] =	sst s29;
	s10 =	sadd.s32 s2, s3  }
0x1c: {  	s18 =	sadd.s32 $0xC6E00, s0;
	s12 =	sadd.s32 s22, s3;
	[dreg:$0x18] =	wrdreg s10  }
0x1d: {  	s19 =	sadd.s32 $0x3800, s0;
	s13 =	sadd.s32 s21, s3;
	[dreg:$0x19] =	wrdreg s12  }
0x1e: {  	s4 =	smov.u32 s22;
	s14 =	sadd.s32 s9, s3;
	[dreg:$0x1a] =	wrdreg s13  }
0x1f: {  	s7 =	sadd.s32 $0x7D0, s20;
	s15 =	sadd.s32 s18, s3;
	[dreg:$0x1b] =	wrdreg s14  }
0x20: {  	s16 =	sshrl.u32 s7, $0x3;
	s0 =	sadd.s32 s19, s3;
	[dreg:$0x1c] =	wrdreg s15  }
0x21: {  	s1 =	simm.s32 $0x8A00;
	[dreg:$0x1d] =	wrdreg s0;
	s17 =	sadd.s32 s2, s16  }
0x22: {  	s11 =	simm.s32 $0x0;
	s23 =	sadd.s32 s22, s16;
	[dreg:$0x1e] =	wrdreg s17  }
0x23: {  	s3 =	smov.u32 s2;
	s24 =	sadd.s32 s21, s16;
	[dreg:$0x1f] =	wrdreg s23  }
.Ltmp0:
0x24: {  	s25 =	sadd.s32 s9, s16;
	[smem:$0x7F9] =	sst s24;
	(pc) =	sbr.rel .LBB2_1-.Ltmp0, $4  }
0x25: {  	s2 =	smov.u32 s21;
	s26 =	sadd.s32 s18, s16;
	[smem:$0x7FA] =	sst s25  }
0x26: {  	s28 =	sadd.s32 s19, s16;
	s15 =	simm.s32 $0x5;
	[smem:$0x7FB] =	sst s26  }
0x27: {  	s21 =	simm.s32 $0x2;
	s22 =	simm.s32 $0x3;
	[smem:$0x7FC] =	sst s28  }
0x28: {  	s23 =	sadd.s32 $0xFA0, s20;
	s24 =	sadd.s32 $0x1770, s20;
	s25 =	simm.s32 $0x7  }
.LBB2_8:
0x29: {  	s0 =	simm.s32 $0x4  }
0x2a: {  	_ =	swait.ge [sflag:s0], $0x7D0  }
0x2b: {  	[sflag:s0] =	ssyncset.done $0x0  }
0x2c: {  	s10 =	simm.s32 $0x8;
	[sflag:s0] =	ssyncadd.s32 $0xFFFFF830  }
0x2d: {  	_ =	swait.ge [sflag:s10], $0x7D0  }
0x2e: {  	s11 =	sld [smem:$0x7F8]  }
0x2f: {  	s29 =	sld [smem:$0x7FD];
	_ =	sdelay $0x1  }
0x30: {  	s11 =	sadd.s32 $0x1, s11  }
0x31: {  	p0 =	sne.s32 s11, s29  }
.Ltmp1:
0x32: {  	_ = 	snop;
	(pc) =	sbr.rel @!p0 .LBB2_9-.Ltmp1, $3  }
0x33: {  	_ =	sdelay $0x1  }
0x34: {  	[sflag:s10] =	ssyncset.done $0x0  }
0x35: {  	[sflag:s10] =	ssyncadd.s32 $0xFFFFF830  }
.LBB2_1:
0x36: {  	[smem:$0x7F8] =	sst s11  }
0x37: {  	s0 =	rddreg [dreg:$0x8];
	s10 =	simm.s32 $0x6200;
	s11 =	simm.s32 $0x9  }
0x38: {  	[tilespmem:s10], [sflag:$0x9] =	stream.linear.gather [hbm4b:s0+s8], $0x640, $0x38;
	[tilespmem:$0xE200] =	vst v63  }
0x39: {  	_ =	swait.ge [sflag:s11], $0x640  }
0x3a: {  	[sflag:s11] =	ssyncset.done $0x0  }
0x3b: {  	s14 =	rddreg [dreg:$0x10];
	[sflag:s11] =	ssyncadd.s32 $0xFFFFF9C0  }
0x3c: {  	[spmem:s14] =	stream.linear.scatter [tilespmem:s10], [sflag:$0x9], $0x640, $0x38;
	[tilespmem:$0xE200] =	vst v63  }
0x3d: {  	_ =	swait.ge [sflag:s11], $0x640  }
0x3e: {  	[sflag:s11] =	ssyncset.done $0x0  }
0x3f: {  	s16 =	rddreg [dreg:$0x9];
	[sflag:s11] =	ssyncadd.s32 $0xFFFFF9C0  }
0x40: {  	[tilespmem:s10], [sflag:$0x9] =	stream.linear.gather [hbm4b:s16+s8], $0x640, $0x38;
	[tilespmem:$0xE200] =	vst v63  }
0x41: {  	_ =	swait.ge [sflag:s11], $0x640  }
0x42: {  	[sflag:s11] =	ssyncset.done $0x0  }
0x43: {  	s17 =	rddreg [dreg:$0x12];
	[sflag:s11] =	ssyncadd.s32 $0xFFFFF9C0  }
0x44: {  	[spmem:s17] =	stream.linear.scatter [tilespmem:s10], [sflag:$0x9], $0x640, $0x38;
	[tilespmem:$0xE200] =	vst v63  }
0x45: {  	_ =	swait.ge [sflag:s11], $0x640  }
0x46: {  	[sflag:s11] =	ssyncset.done $0x0  }
0x47: {  	s26 =	rddreg [dreg:$0xa];
	[sflag:s11] =	ssyncadd.s32 $0xFFFFF9C0  }
0x48: {  	[tilespmem:s10], [sflag:$0x9] =	stream.linear.gather [hbm4b:s26+s8], $0x640, $0x38;
	[tilespmem:$0xE200] =	vst v63  }
0x49: {  	_ =	swait.ge [sflag:s11], $0x640  }
0x4a: {  	[sflag:s11] =	ssyncset.done $0x0  }
0x4b: {  	s28 =	rddreg [dreg:$0x14];
	[sflag:s11] =	ssyncadd.s32 $0xFFFFF9C0  }
0x4c: {  	[spmem:s28] =	stream.linear.scatter [tilespmem:s10], [sflag:$0x9], $0x640, $0x38;
	[tilespmem:$0xE200] =	vst v63  }
0x4d: {  	_ =	swait.ge [sflag:s11], $0x640  }
0x4e: {  	[sflag:s11] =	ssyncset.done $0x0  }
0x4f: {  	s29 =	rddreg [dreg:$0xb];
	[sflag:s11] =	ssyncadd.s32 $0xFFFFF9C0  }
0x50: {  	[tilespmem:s10], [sflag:$0x9] =	stream.linear.gather [hbm4b:s29+s8], $0x640, $0x38;
	[tilespmem:$0xE200] =	vst v63  }
0x51: {  	_ =	swait.ge [sflag:s11], $0x640  }
0x52: {  	[sflag:s11] =	ssyncset.done $0x0  }
0x53: {  	s12 =	rddreg [dreg:$0x16];
	[sflag:s11] =	ssyncadd.s32 $0xFFFFF9C0  }
0x54: {  	[spmem:s12] =	stream.linear.scatter [tilespmem:s10], [sflag:$0x9], $0x640, $0x38;
	[tilespmem:$0xE200] =	vst v63  }
0x55: {  	_ =	swait.ge [sflag:s11], $0x640  }
0x56: {  	[sflag:s11] =	ssyncset.done $0x0  }
0x57: {  	s12 =	simm.s32 $0x7200;
	s13 =	rddreg [dreg:$0xc];
	[sflag:s11] =	ssyncadd.s32 $0xFFFFF9C0  }
0x58: {  	[tilespmem:s12], [sflag:$0x9] =	stream.linear.gather [hbm4b:s13+s8], $0x640, $0x38;
	[tilespmem:$0xE200] =	vst v63  }
0x59: {  	_ =	swait.ge [sflag:s11], $0x640  }
0x5a: {  	[sflag:s11] =	ssyncset.done $0x0  }
0x5b: {  	s14 =	rddreg [dreg:$0x11];
	[sflag:s11] =	ssyncadd.s32 $0xFFFFF9C0  }
0x5c: {  	[spmem:s14] =	stream.linear.scatter [tilespmem:s12], [sflag:$0x9], $0x640, $0x38;
	[tilespmem:$0xE200] =	vst v63  }
0x5d: {  	_ =	swait.ge [sflag:s11], $0x640  }
0x5e: {  	[sflag:s11] =	ssyncset.done $0x0  }
0x5f: {  	s16 =	rddreg [dreg:$0xd];
	[sflag:s11] =	ssyncadd.s32 $0xFFFFF9C0  }
0x60: {  	[tilespmem:s12], [sflag:$0x9] =	stream.linear.gather [hbm4b:s16+s8], $0x640, $0x38;
	[tilespmem:$0xE200] =	vst v63  }
0x61: {  	_ =	swait.ge [sflag:s11], $0x640  }
0x62: {  	[sflag:s11] =	ssyncset.done $0x0  }
0x63: {  	s17 =	rddreg [dreg:$0x13];
	[sflag:s11] =	ssyncadd.s32 $0xFFFFF9C0  }
0x64: {  	[spmem:s17] =	stream.linear.scatter [tilespmem:s12], [sflag:$0x9], $0x640, $0x38;
	[tilespmem:$0xE200] =	vst v63  }
0x65: {  	_ =	swait.ge [sflag:s11], $0x640  }
0x66: {  	[sflag:s11] =	ssyncset.done $0x0  }
0x67: {  	s26 =	rddreg [dreg:$0xe];
	[sflag:s11] =	ssyncadd.s32 $0xFFFFF9C0  }
0x68: {  	[tilespmem:s12], [sflag:$0x9] =	stream.linear.gather [hbm4b:s26+s8], $0x640, $0x38;
	[tilespmem:$0xE200] =	vst v63  }
0x69: {  	_ =	swait.ge [sflag:s11], $0x640  }
0x6a: {  	[sflag:s11] =	ssyncset.done $0x0  }
0x6b: {  	s28 =	rddreg [dreg:$0x15];
	[sflag:s11] =	ssyncadd.s32 $0xFFFFF9C0  }
0x6c: {  	[spmem:s28] =	stream.linear.scatter [tilespmem:s12], [sflag:$0x9], $0x640, $0x38;
	[tilespmem:$0xE200] =	vst v63  }
0x6d: {  	_ =	swait.ge [sflag:s11], $0x640  }
0x6e: {  	[sflag:s11] =	ssyncset.done $0x0  }
0x6f: {  	s29 =	rddreg [dreg:$0xf];
	[sflag:s11] =	ssyncadd.s32 $0xFFFFF9C0  }
0x70: {  	[tilespmem:s12], [sflag:$0x9] =	stream.linear.gather [hbm4b:s29+s8], $0x640, $0x38;
	[tilespmem:$0xE200] =	vst v63  }
0x71: {  	_ =	swait.ge [sflag:s11], $0x640  }
0x72: {  	[sflag:s11] =	ssyncset.done $0x0  }
0x73: {  	s13 =	rddreg [dreg:$0x17];
	[sflag:s11] =	ssyncadd.s32 $0xFFFFF9C0  }
0x74: {  	[spmem:s13] =	stream.linear.scatter [tilespmem:s12], [sflag:$0x9], $0x640, $0x38;
	[tilespmem:$0xE200] =	vst v63  }
0x75: {  	_ =	swait.ge [sflag:s11], $0x640  }
0x76: {  	[sflag:s11] =	ssyncset.done $0x0  }
0x77: {  	[sflag:s11] =	ssyncadd.s32 $0xFFFFF9C0  }
0x78: {  	[bflag:$0x0] =	sbarrier.arrive $0xFFFF  }
0x79: {  	s11 =	simm.s32 $0x3200;
	s14 =	rddreg [dreg:$0x18]  }
0x7a: {  	[tilespmem:s11], [sflag:$0x1] =	stream.linear.gather [hbm4b:s14+s8], $0x7D0, $0x38;
	[tilespmem:$0xE200] =	vst v63  }
0x7b: {  	s13 =	simm.s32 $0x39D0;
	s16 =	rddreg [dreg:$0x19]  }
0x7c: {  	[tilespmem:s13], [sflag:$0x1] =	stream.linear.gather [hbm4b:s16+s8], $0x7D0, $0x38;
	[tilespmem:$0xE200] =	vst v63  }
0x7d: {  	s26 =	simm.s32 $0x4200;
	s17 =	rddreg [dreg:$0x1a]  }
0x7e: {  	[tilespmem:s26], [sflag:$0x2] =	stream.linear.gather [hbm4b:s17+s8], $0x7D0, $0x38;
	[tilespmem:$0xE200] =	vst v63  }
0x7f: {  	s29 =	simm.s32 $0x4A00;
	s28 =	rddreg [dreg:$0x1b]  }
0x80: {  	[tilespmem:s29], [sflag:$0x2] =	stream.linear.gather [hbm4b:s28+s8], $0x7D0, $0x38;
	[tilespmem:$0xE200] =	vst v63  }
0x81: {  	s14 =	rddreg [dreg:$0x1c];
	s16 =	simm.s32 $0x5200  }
0x82: {  	[tilespmem:s16], [sflag:$0x2] =	stream.linear.gather [hbm4b:s14+s8], $0x7D0, $0x38;
	[tilespmem:$0xE200] =	vst v63  }
0x83: {  	s17 =	rddreg [dreg:$0x1d];
	s26 =	simm.s32 $0x5A00;
	s28 =	simm.s32 $0x1  }
0x84: {  	[tilespmem:s26], [sflag:$0x2] =	stream.linear.gather [hbm4b:s17+s8], $0x7D0, $0x38;
	[tilespmem:$0xE200] =	vst v63  }
0x85: {  	_ =	swait.ge [sflag:s28], $0xFA0  }
0x86: {  	[sflag:s28] =	ssyncset.done $0x0  }
0x87: {  	[sflag:s28] =	ssyncadd.s32 $0xFFFFF060  }
0x88: {  	[tilespmem:s10], [sflag:$0x3] =	stream.indirect.gather [spmem:s5], $0x1, s11, s31, $0xb8;
	[tilespmem:$0xE200] =	vst v63  }
0x89: {  	s29 =	rddreg [dreg:$0x1e]  }
0x8a: {  	[tilespmem:s12], [sflag:$0x3] =	stream.indirect.gather [spmem:s6], $0x1, s11, s31, $0xb8;
	[tilespmem:$0xE200] =	vst v63  }
0x8b: {  	s10 =	rddreg [dreg:$0x1f]  }
0x8c: {  	[tilespmem:s1], [sflag:$0x5] =	stream.linear.gather [hbm4b:s29+s8], $0x7D0, $0x38;
	[tilespmem:$0xE200] =	vst v63  }
0x8d: {  	s11 =	simm.s32 $0x91D0;
	s12 =	sld [smem:$0x7F9]  }
0x8e: {  	[tilespmem:s11], [sflag:$0x5] =	stream.linear.gather [hbm4b:s10+s8], $0x7D0, $0x38;
	[tilespmem:$0xE200] =	vst v63  }
0x8f: {  	s13 =	simm.s32 $0x9A00;
	s14 =	sld [smem:$0x7FA]  }
0x90: {  	[tilespmem:s13], [sflag:$0x6] =	stream.linear.gather [hbm4b:s12+s8], $0x7D0, $0x38;
	[tilespmem:$0xE200] =	vst v63  }
0x91: {  	s16 =	simm.s32 $0xA200;
	s17 =	sld [smem:$0x7FB]  }
0x92: {  	[tilespmem:s16], [sflag:$0x6] =	stream.linear.gather [hbm4b:s14+s8], $0x7D0, $0x38;
	[tilespmem:$0xE200] =	vst v63  }
0x93: {  	s26 =	simm.s32 $0xAA00;
	s28 =	sld [smem:$0x7FC]  }
0x94: {  	[tilespmem:s26], [sflag:$0x6] =	stream.linear.gather [hbm4b:s17+s8], $0x7D0, $0x38;
	[tilespmem:$0xE200] =	vst v63  }
0x95: {  	s29 =	simm.s32 $0xB200;
	s10 =	simm.s32 $0x0  }
0x96: {  	[tilespmem:s29], [sflag:$0x6] =	stream.linear.gather [hbm4b:s28+s8], $0x7D0, $0x38;
	[tilespmem:$0xE200] =	vst v63  }
.LBB2_2:
0x97: {  	_ =	swait.ge [sflag:s15], $0xFA0  }
0x98: {  	[sflag:s15] =	ssyncset.done $0x0  }
0x99: {  	s0 =	simm.s32 $0xBA00;
	[sflag:s15] =	ssyncadd.s32 $0xFFFFF060  }
0x9a: {  	[tilespmem:s0], [sflag:$0x7] =	stream.indirect.gather [spmem:s5], $0x1, s1, s31, $0xb8;
	[tilespmem:$0xE200] =	vst v63  }
0x9b: {  	s14 =	simm.s32 $0xCA00  }
0x9c: {  	[tilespmem:s14], [sflag:$0x7] =	stream.indirect.gather [spmem:s6], $0x1, s1, s31, $0xb8;
	[tilespmem:$0xE200] =	vst v63  }
0x9d: {  	_ =	swait.ge [sflag:s21], $0x7D0  }
0x9e: {  	[sflag:s21] =	ssyncset.done $0x0  }
0x9f: {  	[sflag:s21] =	ssyncadd.s32 $0xFFFFF830  }
0xa0: {  	_ =	swait.ge [sflag:s21], $0x7D0  }
0xa1: {  	[sflag:s21] =	ssyncset.done $0x0  }
0xa2: {  	[sflag:s21] =	ssyncadd.s32 $0xFFFFF830  }
0xa3: {  	_ =	swait.ge [sflag:s21], $0x7D0  }
0xa4: {  	[sflag:s21] =	ssyncset.done $0x0  }
0xa5: {  	[sflag:s21] =	ssyncadd.s32 $0xFFFFF830  }
0xa6: {  	_ =	swait.ge [sflag:s21], $0x7D0  }
0xa7: {  	[sflag:s21] =	ssyncset.done $0x0  }
0xa8: {  	[sflag:s21] =	ssyncadd.s32 $0xFFFFF830  }
0xa9: {  	_ =	swait.ge [sflag:s22], $0xFA0  }
0xaa: {  	[sflag:s22] =	ssyncset.done $0x0  }
0xab: {  	[sflag:s22] =	ssyncadd.s32 $0xFFFFF060  }
0xac: {  	_ =	swait.ge [sflag:s22], $0xFA0  }
0xad: {  	p0 =	seq.s32 s10, $0x0;
	[sflag:s22] =	ssyncset.done $0x0  }
0xae: {  	s0 =	simm.s32 @!p0 $0x4;
	[sflag:s22] =	ssyncadd.s32 $0xFFFFF060  }
0xaf: {  	_ =	swait.ge @!p0 [sflag:s0], $0x7D0  }
0xb0: {  	[sflag:s0] =	ssyncset.done @!p0 $0x0  }
0xb1: {  	s16 =	simm.s32 $0x4210;
	[sflag:s0] =	ssyncadd.s32 @!p0 $0xFFFFF830  }
0xb2: {  	v0 =	vld [tilespmem:s16+$0x0]  }
0xb3: {  	s17 =	simm.s32 $0x79E0;
	v1 =	vld [tilespmem:s16+$0xFFFFFFF0]  }
0xb4: {  	s11 =	simm.s32 $0x69E0;
	v10 =	vld [tilespmem:s17+$0xFFFFF830]  }
0xb5: {  	v11 =	vld [tilespmem:s11+$0x0]  }
0xb6: {  	v14 =	vld [tilespmem:s11+$0xFFFFF830]  }
0xb7: {  	v19 =	vld [tilespmem:s17+$0x0];
	_ =	sdelay $0x1  }
0xb8: {  	v2 =	vmul.f32 v0, v0;
	v3 =	vmul.f32 v1, v1  }
0xb9: {  	v4 =	vmul.f32 $5.000000000e-01, v1;
	v5 =	vmul.f32 $5.000000000e-01, v0  }
0xba: {  	(erf) = vrcp.f32 v1;
	vm0 =	vle.f32 v1, $1.000000000e+01;
	v53 =	vshll.u32 v10, $0x10  }
0xbb: {  	v54 =	vshll.u32 v14, $0x10;
	v55 =	vshll.u32 v11, $0x10;
	v21 =	vand.u32 $0xFFFF0000, v19  }
0xbc: {  	v19 =	vshll.u32 v19, $0x10;
	(erf) = vrcp.f32 v0;
	v2 =	vadd.f32 $1.000000000e+00, v2  }
0xbd: {  	v3 =	vadd.f32 $1.000000000e+00, v3;
	v5 =	vmax.f32 v5, $0.0e+00;
	v4 =	vmax.f32 v4, $0.0e+00  }
0xbe: {  	v5 =	vmin.f32 v5, $1.000000000e+00;
	v6 =	vshrl.u32 v2, $0x1;
	v2 =	vmul.f32 $5.000000000e-01, v2  }
0xbf: {  	s12 =	simm.s32 $0x5210;
	v7 =	vshrl.u32 v3, $0x1;
	v3 =	vmul.f32 $5.000000000e-01, v3;
	v6 =	vsub.s32 $0x5F3759DF, v6  }
0xc0: {  	v20 =	vld [tilespmem:s12+$0x0];
	v4 =	vmin.f32 v4, $1.000000000e+00;
	v12 =	vmul.f32 v5, v5;
	v8 =	vmul.f32 v6, v2  }
0xc1: {  	v13 =	vmul.f32 v4, v4;
	v17 =	vmul.f32 $1.500000000e+01, v5;
	v7 =	vsub.s32 $0x5F3759DF, v7  }
0xc2: {  	v11 =	vand.u32 $0xFFFF0000, v11;
	v9 =	vmul.f32 v7, v3;
	v8 =	vmul.f32 v6, v8  }
0xc3: {  	s26 =	simm.s32 $0x4230;
	v60 =	vld [tilespmem:s17+$0xFFFFFFF0];
	v14 =	vand.u32 $0xFFFF0000, v14;
	v1 =	vmul.f32 $1.500000000e+01, v4;
	v18 =	vmul.f32 $6.000000000e+00, v13  }
0xc4: {  	v28 =	vld [tilespmem:s26+$0xFFFFFFF0];
	v16 =	vmul.f32 $6.000000000e+00, v12;
	v9 =	vmul.f32 v7, v9;
	v8 =	vsub.f32 $1.500000000e+00, v8  }
0xc5: {  	s13 =	simm.s32 $0x4A10;
	v22 =	vmul.f32 v21, v20;
	v11 =	vmul.f32 v11, v14;
	v1 =	vsub.f32 v18, v1  }
0xc6: {  	v15 =	vld [tilespmem:s13+$0x0];
	v16 =	vsub.f32 v16, v17;
	v9 =	vsub.f32 $1.500000000e+00, v9;
	v6 =	vmul.f32 v6, v8  }
0xc7: {  	s14 =	simm.s32 $0x5A10;
	v5 =	vmul.f32 v12, v5;
	v4 =	vmul.f32 v13, v4;
	v1 =	vadd.f32 $1.000000000e+01, v1  }
0xc8: {  	v7 =	vmul.f32 v7, v9;
	v8 =	vld [tilespmem:s14+$0x0];
	v9 =	vadd.f32 $1.000000000e+01, v16;
	v2 =	vmul.f32 v6, v2  }
0xc9: {  	v26 =	vand.u32 $0xFFFF0000, v60;
	v56 =	vpop (erf);
	(erf) = vrcp.f32 v28;
	v1 =	vmul.f32 v1, v4  }
0xca: {  	vm1 =	vle.f32 v0, $1.000000000e+01;
	v5 =	vmul.f32 v9, v5;
	v2 =	vmul.f32 v2, v6  }
0xcb: {  	v9 =	vand.u32 $0xFFFF0000, v10;
	v10 =	vmul.f32 v55, v15;
	v15 =	vmul.f32 v54, v15  }
0xcc: {  	v20 =	vmul.f32 v9, v20;
	v5 =	vsub.f32 $1.000000000e+00, v5;
	v2 =	vsub.f32 $1.500000000e+00, v2  }
0xcd: {  	v10 =	vadd.f32 v22, v10;
	v23 =	vmul.f32 v19, v8;
	v8 =	vmul.f32 v53, v8  }
0xce: {  	v15 =	vadd.f32 v20, v15;
	v2 =	vmul.f32 v2, v6;
	v6 =	vsub.f32 $1.000000000e+00, v5  }
0xcf: {  	v57 =	vpop (erf);
	v3 =	vmul.f32 v7, v3;
	v9 =	vmul.f32 v21, v9;
	v10 =	vadd.f32 v10, v23  }
0xd0: {  	v8 =	vadd.f32 v15, v8;
	v2 =	vmul.f32 v2, v5;
	v5 =	vmul.f32 v6, v57  }
0xd1: {  	v58 =	vadd.f32 v14, v14;
	v10 =	vmul.f32 v10, v57;
	v6 =	vmul.f32 v55, v54  }
0xd2: {  	v3 =	vmul.f32 v3, v7;
	v8 =	vmul.f32 v8, v57;
	v2 =	vadd.f32 v2, v5  }
0xd3: {  	v63 =	vld [tilespmem:s11+$0xFFFFF820];
	v59 =	vmul.f32 $3.000000000e+00, v10;
	v5 =	vmul.f32 v19, v53;
	v6 =	vadd.f32 v9, v6  }
0xd4: {  	v24 =	vld [tilespmem:s14+$0xFFFFFFF0];
	v1 =	vsub.f32 $1.000000000e+00, v1;
	v3 =	vsub.f32 $1.500000000e+00, v3;
	v61 =	vmul.f32 v2, v2  }
0xd5: {  	v10 =	vmul.f32 v10, v58;
	v9 =	vld [tilespmem:s11+$0xFFFFFFF0];
	v8 =	vmul.f32 v59, v8;
	v5 =	vadd.f32 v6, v5  }
0xd6: {  	v6 =	vld [tilespmem:s13+$0xFFFFFFF0];
	v62 =	vadd.f32 $-1.000000010e-01, v2;
	v2 =	vmul.f32 v61, v2;
	v21 =	vadd.f32 $-9.999999770e-03, v61  }
0xd7: {  	v23 =	vld [tilespmem:s12+$0xFFFFFFF0];
	s12 =	simm.s32 $0x6A00;
	v3 =	vmul.f32 v3, v7;
	v7 =	vsub.f32 $1.000000000e+00, v1;
	v5 =	vsub.f32 v5, v8  }
0xd8: {  	v55 =	vld [tilespmem:s12+$0xFFFFF820];
	v8 =	vmul.f32 v62, v11;
	v10 =	vmul.f32 v21, v10;
	v2 =	vadd.f32 $-1.000000050e-03, v2  }
0xd9: {  	v16 =	vshll.u32 v60, $0x10;
	v0 =	vmul.f32 v3, v1;
	v1 =	vmul.f32 v7, v56;
	v11 =	vld [tilespmem:s17+$0xFFFFF820]  }
0xda: {  	v25 =	vshll.u32 v9, $0x10;
	v8 =	vadd.f32 v10, v8;
	v2 =	vmul.f32 v2, v5  }
0xdb: {  	v27 =	vmul.f32 v16, v24;
	v0 =	vadd.f32 v0, v1;
	s11 =	simm.s32 $0x7A00;
	v4 =	vmul.f32 v25, v6  }
0xdc: {  	v30 =	vld [tilespmem:s11+$0xFFFFF830];
	v5 =	vshll.u32 v63, $0x10;
	v10 =	vmul.f32 v26, v23;
	v2 =	vadd.f32 v2, v8  }
0xdd: {  	v59 =	vshll.u32 v55, $0x10;
	v6 =	vmul.f32 v5, v6;
	v1 =	vmul.f32 v25, v5  }
0xde: {  	v8 =	vand.u32 $0xFFFF0000, v11;
	v4 =	vadd.f32 v10, v4;
	v2 =	vmul.f32 $7.199822900e+00, v2  }
0xdf: {  	v39 =	vld [tilespmem:s11+$0x0];
	v9 =	vand.u32 $0xFFFF0000, v9;
	v10 =	vmul.f32 v8, v23;
	v5 =	vmul.f32 v26, v8  }
0xe0: {  	v4 =	vadd.f32 v4, v27;
	v3 =	vnsel vm1, $0x0, v2;
	v2 =	vshll.u32 v11, $0x10  }
0xe1: {  	v12 =	vand.u32 $0xFFFF0000, v30;
	v6 =	vadd.f32 v10, v6;
	v7 =	vmul.f32 v2, v24  }
0xe2: {  	v8 =	vand.u32 $0xFFFF0000, v63;
	v1 =	vadd.f32 v5, v1;
	v10 =	vmul.f32 v4, v56  }
0xe3: {  	v5 =	vadd.f32 v8, v8;
	v4 =	vld [tilespmem:s26+$0x0];
	v6 =	vadd.f32 v6, v7;
	v7 =	vmul.f32 v0, v0  }
0xe4: {  	s14 =	simm.s32 $0x5230;
	v44 =	vand.u32 $0xFFFF0000, v39;
	v2 =	vmul.f32 v16, v2;
	v11 =	vmul.f32 $3.000000000e+00, v10  }
0xe5: {  	v40 =	vld [tilespmem:s14+$0x0];
	v5 =	vmul.f32 v10, v5;
	v6 =	vmul.f32 v6, v56;
	v29 =	vadd.f32 $-9.999999770e-03, v7  }
0xe6: {  	v8 =	vmul.f32 v9, v8;
	v7 =	vmul.f32 v7, v0;
	v0 =	vadd.f32 $-1.000000010e-01, v0  }
0xe7: {  	v1 =	vadd.f32 v1, v2;
	v6 =	vmul.f32 v11, v6;
	v2 =	vmul.f32 v29, v5  }
0xe8: {  	v5 =	vadd.f32 $-1.000000050e-03, v7;
	v7 =	vmul.f32 v4, v4;
	v0 =	vmul.f32 v0, v8  }
0xe9: {  	v8 =	vmul.f32 v28, v28;
	v1 =	vsub.f32 v1, v6;
	v6 =	vmul.f32 $5.000000000e-01, v28  }
0xea: {  	v22 =	vmul.f32 v12, v40;
	v12 =	vmul.f32 v44, v12;
	v7 =	vadd.f32 $1.000000000e+00, v7  }
0xeb: {  	v49 =	vld [tilespmem:s11+$0xFFFFFFF0];
	v0 =	vadd.f32 v2, v0;
	v2 =	vmax.f32 v6, $0.0e+00;
	v6 =	vadd.f32 $1.000000000e+00, v8  }
0xec: {  	v8 =	vmul.f32 $5.000000000e-01, v4;
	v9 =	vshrl.u32 v7, $0x1;
	v7 =	vmul.f32 $5.000000000e-01, v7  }
0xed: {  	v9 =	vsub.s32 $0x5F3759DF, v9;
	v10 =	vshrl.u32 v6, $0x1;
	v6 =	vmul.f32 $5.000000000e-01, v6  }
0xee: {  	v53 =	vld [tilespmem:s14+$0xFFFFFFF0];
	v8 =	vmax.f32 v8, $0.0e+00;
	v11 =	vmul.f32 v9, v7;
	v10 =	vsub.s32 $0x5F3759DF, v10  }
0xef: {  	v1 =	vmul.f32 v5, v1;
	v8 =	vmin.f32 v8, $1.000000000e+00;
	v5 =	vmul.f32 v10, v6  }
0xf0: {  	v58 =	vand.u32 $0xFFFF0000, v49;
	v32 =	vmul.f32 v8, v8;
	v11 =	vmul.f32 v9, v11  }
0xf1: {  	v31 =	vmin.f32 v2, $1.000000000e+00;
	v0 =	vadd.f32 v1, v0;
	v1 =	vmul.f32 v10, v5  }
0xf2: {  	s13 =	simm.s32 $0x4A30;
	v2 =	vld [tilespmem:s12+$0x0];
	v36 =	vmul.f32 $1.500000000e+01, v8;
	v35 =	vmul.f32 $6.000000000e+00, v32;
	v11 =	vsub.f32 $1.500000000e+00, v11  }
0xf3: {  	v34 =	vld [tilespmem:s13+$0x0];
	v60 =	vmul.f32 v58, v53;
	v24 =	vmul.f32 v44, v40;
	v1 =	vsub.f32 $1.500000000e+00, v1  }
0xf4: {  	(erf) = vrcp.f32 v4;
	v5 =	vld [tilespmem:s12+$0xFFFFF830];
	v17 =	vsub.f32 v35, v36;
	v9 =	vmul.f32 v9, v11  }
0xf5: {  	s16 =	simm.s32 $0x5A30;
	v41 =	vshll.u32 v30, $0x10;
	v33 =	vmul.f32 v31, v31;
	v10 =	vmul.f32 v10, v1  }
0xf6: {  	v11 =	vld [tilespmem:s16+$0x0];
	v1 =	vmul.f32 v32, v8;
	v8 =	vadd.f32 $1.000000000e+01, v17;
	v7 =	vmul.f32 v9, v7  }
0xf7: {  	v38 =	vmul.f32 $1.500000000e+01, v31;
	v37 =	vmul.f32 $6.000000000e+00, v33;
	v42 =	vand.u32 $0xFFFF0000, v2  }
0xf8: {  	v2 =	vshll.u32 v2, $0x10;
	v1 =	vmul.f32 v8, v1;
	v7 =	vmul.f32 v7, v9  }
0xf9: {  	v13 =	vmul.f32 v33, v31;
	v45 =	vmul.f32 v2, v34;
	v43 =	vshll.u32 v5, $0x10  }
0xfa: {  	v8 =	vshll.u32 v39, $0x10;
	v25 =	vsub.f32 $1.000000000e+00, v1;
	v7 =	vsub.f32 $1.500000000e+00, v7  }
0xfb: {  	v21 =	vadd.f32 v24, v45;
	v16 =	vmul.f32 v43, v34;
	v26 =	vmul.f32 v8, v11  }
0xfc: {  	v14 =	vmul.f32 v2, v43;
	v1 =	vpop (erf);
	v7 =	vmul.f32 v7, v9;
	v9 =	vsub.f32 $1.000000000e+00, v25  }
0xfd: {  	v11 =	vmul.f32 v41, v11;
	v16 =	vadd.f32 v22, v16;
	v2 =	vadd.f32 v21, v26;
	v46 =	vpop (erf)  }
0xfe: {  	vm2 =	vle.f32 v4, $1.000000000e+01;
	v7 =	vmul.f32 v7, v25;
	v9 =	vmul.f32 v9, v46  }
0xff: {  	v5 =	vand.u32 $0xFFFF0000, v5;
	v11 =	vadd.f32 v16, v11;
	v47 =	vmul.f32 v2, v46  }
0x100: {  	v8 =	vmul.f32 v8, v41;
	v12 =	vadd.f32 v12, v14;
	v7 =	vadd.f32 v7, v9  }
0x101: {  	v11 =	vmul.f32 v11, v46;
	v9 =	vadd.f32 v5, v5;
	v48 =	vmul.f32 $3.000000000e+00, v47  }
0x102: {  	v52 =	vld [tilespmem:s13+$0xFFFFFFF0];
	v50 =	vsub.f32 v37, v38;
	v5 =	vmul.f32 v42, v5;
	v51 =	vmul.f32 v7, v7  }
0x103: {  	v57 =	vld [tilespmem:s16+$0xFFFFFFF0];
	v8 =	vadd.f32 v12, v8;
	v9 =	vmul.f32 v47, v9;
	v11 =	vmul.f32 v48, v11  }
0x104: {  	v2 =	vld [tilespmem:s12+$0xFFFFFFF0];
	v54 =	vmul.f32 v51, v7;
	v7 =	vadd.f32 $-1.000000010e-01, v7;
	v18 =	vadd.f32 $-9.999999770e-03, v51  }
0x105: {  	v17 =	vadd.f32 $1.000000000e+01, v50;
	v6 =	vmul.f32 v10, v6;
	v8 =	vsub.f32 v8, v11  }
0x106: {  	v11 =	vld [tilespmem:s11+$0xFFFFF820];
	v5 =	vmul.f32 v7, v5;
	v7 =	vmul.f32 v18, v9;
	v9 =	vadd.f32 $-1.000000050e-03, v54  }
0x107: {  	v4 =	vmul.f32 v59, v52;
	v6 =	vmul.f32 v6, v10;
	v16 =	vshll.u32 v49, $0x10  }
0x108: {  	v5 =	vadd.f32 v7, v5;
	v7 =	vmul.f32 v9, v8;
	v8 =	vmul.f32 v17, v13  }
0x109: {  	v6 =	vsub.f32 $1.500000000e+00, v6;
	v61 =	vmul.f32 v16, v57;
	v56 =	vshll.u32 v2, $0x10  }
0x10a: {  	v9 =	vmul.f32 v56, v52;
	v5 =	vadd.f32 v7, v5;
	v8 =	vsub.f32 $1.000000000e+00, v8  }
0x10b: {  	v6 =	vmul.f32 v6, v10;
	v63 =	vmul.f32 v56, v59;
	v7 =	vand.u32 $0xFFFF0000, v11  }
0x10c: {  	v9 =	vadd.f32 v60, v9;
	v5 =	vmul.f32 $7.199822900e+00, v5;
	v10 =	vsub.f32 $1.000000000e+00, v8  }
0x10d: {  	v11 =	vshll.u32 v11, $0x10;
	v12 =	vmul.f32 v7, v53;
	v7 =	vmul.f32 v58, v7  }
0x10e: {  	v62 =	vnsel vm2, $0x0, v5;
	v5 =	vmul.f32 v6, v8;
	v6 =	vmul.f32 v10, v1  }
0x10f: {  	v8 =	vadd.f32 v9, v61;
	v9 =	vadd.f32 v12, v4;
	v10 =	vmul.f32 v11, v57  }
0x110: {  	vm0 =	vmmov vm0;
	s17 =	simm.s32 $0x8210;
	vm1 =	vle.f32 v28, $1.000000000e+01;
	v5 =	vadd.f32 v5, v6  }
0x111: {  	s29 =	simm.s32 $0x8230;
	[tilespmem:s17+$0x0] =	vst v3;
	v7 =	vadd.f32 v7, v63;
	v6 =	vmul.f32 v8, v1;
	v10 =	vadd.f32 v9, v10  }
0x112: {  	s28 =	simm.s32 $0x2;
	s26 =	simm.s32 $0x4250;
	v4 =	vand.u32 $0xFFFF0000, v55;
	[tilespmem:s29+$0x0] =	vst v62;
	v8 =	vmul.f32 v16, v11;
	v9 =	vmul.f32 v5, v5  }
.LBB2_3:
0x113: {  	v1 =	vmul.f32 v10, v1;
	v10 =	vadd.f32 v4, v4  }
0x114: {  	v3 =	vld [tilespmem:s26+$0x0];
	s28 =	sadd.s32 $0x2, s28;
	v11 =	vmul.f32 $3.000000000e+00, v6;
	vm2 =	vmmov vm0;
	vm0 =	vmmov vm1  }
0x115: {  	v2 =	vand.u32 $0xFFFF0000, v2;
	v12 =	vld [tilespmem:s26+$0xFFFFFFF0];
	p1 =	slt.u32 s28, $0x7A;
	v13 =	vmul.f32 v9, v5;
	v9 =	vadd.f32 $-9.999999770e-03, v9  }
0x116: {  	v5 =	vadd.f32 $-1.000000010e-01, v5;
	v6 =	vmul.f32 v6, v10;
	v1 =	vmul.f32 v11, v1  }
0x117: {  	v7 =	vadd.f32 v7, v8;
	v2 =	vmul.f32 v2, v4;
	v4 =	vadd.f32 $-1.000000050e-03, v13  }
0x118: {  	v8 =	vmul.f32 $7.199822900e+00, v0;
	v6 =	vmul.f32 v9, v6  }
0x119: {  	v2 =	vmul.f32 v5, v2;
	v1 =	vsub.f32 v7, v1;
	v0 =	vmul.f32 v3, v3  }
0x11a: {  	v5 =	vmul.f32 $5.000000000e-01, v12;
	v7 =	vmul.f32 v12, v12;
	vm1 =	vle.f32 v12, $1.000000000e+01  }
0x11b: {  	v2 =	vadd.f32 v6, v2;
	v0 =	vadd.f32 $1.000000000e+00, v0;
	(erf) = vrcp.f32 v12  }
0x11c: {  	v1 =	vmul.f32 v4, v1;
	v5 =	vmax.f32 v5, $0.0e+00;
	v6 =	vadd.f32 $1.000000000e+00, v7  }
0x11d: {  	v4 =	vmul.f32 $5.000000000e-01, v3;
	v7 =	vshrl.u32 v0, $0x1;
	v9 =	vmul.f32 $5.000000000e-01, v0  }
0x11e: {  	v0 =	vshrl.u32 v6, $0x1;
	v6 =	vmul.f32 $5.000000000e-01, v6;
	v7 =	vsub.s32 $0x5F3759DF, v7  }
0x11f: {  	s11 =	sadd.s32 $0x20, s11;
	v10 =	vsub.s32 $0x5F3759DF, v0;
	v0 =	vmax.f32 v4, $0.0e+00;
	v4 =	vmul.f32 v7, v9  }
0x120: {  	s12 =	sadd.s32 $0x20, s12;
	v5 =	vmin.f32 v5, $1.000000000e+00;
	v11 =	vmul.f32 v10, v6;
	v12 =	vld [tilespmem:s11+$0xFFFFF830];
	v13 =	vmin.f32 v0, $1.000000000e+00  }
0x121: {  	v0 =	vadd.f32 v1, v2;
	v14 =	vld [tilespmem:s12+$0x0];
	v15 =	vmul.f32 v13, v13;
	v4 =	vmul.f32 v7, v4  }
0x122: {  	s13 =	sadd.s32 $0x20, s13;
	v16 =	vmul.f32 v5, v5;
	v2 =	vnsel vm2, $0x0, v8;
	v22 =	vmul.f32 v10, v11;
	v11 =	vld [tilespmem:s12+$0xFFFFF830]  }
0x123: {  	v18 =	vmul.f32 $1.500000000e+01, v13;
	v8 =	vld [tilespmem:s13+$0x0];
	v17 =	vmul.f32 $6.000000000e+00, v15;
	v4 =	vsub.f32 $1.500000000e+00, v4;
	[tilespmem:s17+$0xFFFFFFF0] =	vst v2;
	s17 =	smov.u32 s29  }
0x124: {  	s14 =	sadd.s32 $0x20, s14;
	v20 =	vmul.f32 $1.500000000e+01, v5;
	v19 =	vmul.f32 $6.000000000e+00, v16;
	v2 =	vsub.f32 $1.500000000e+00, v22;
	v21 =	vld [tilespmem:s11+$0x0];
	v1 =	vpop (erf)  }
0x125: {  	s16 =	sadd.s32 $0x20, s16;
	v22 =	vld [tilespmem:s14+$0x0];
	v17 =	vsub.f32 v17, v18;
	v4 =	vmul.f32 v7, v4;
	(erf) = vrcp.f32 v3  }
0x126: {  	v18 =	vshll.u32 v12, $0x10;
	v7 =	vmul.f32 v10, v2;
	v10 =	vld [tilespmem:s16+$0x0];
	v23 =	vand.u32 $0xFFFF0000, v14  }
0x127: {  	v13 =	vmul.f32 v15, v13;
	v2 =	vld [tilespmem:s12+$0xFFFFFFF0];
	v15 =	vadd.f32 $1.000000000e+01, v17;
	v9 =	vmul.f32 v4, v9  }
0x128: {  	v12 =	vand.u32 $0xFFFF0000, v12;
	v14 =	vshll.u32 v14, $0x10;
	v24 =	vshll.u32 v11, $0x10;
	v17 =	vld [tilespmem:s11+$0xFFFFFFF0]  }
0x129: {  	v25 =	vld [tilespmem:s13+$0xFFFFFFF0];
	v26 =	vand.u32 $0xFFFF0000, v21;
	v13 =	vmul.f32 v15, v13;
	v9 =	vmul.f32 v9, v4  }
0x12a: {  	v27 =	vmul.f32 v14, v8;
	v21 =	vshll.u32 v21, $0x10;
	v15 =	vld [tilespmem:s14+$0xFFFFFFF0];
	v28 =	vmul.f32 v26, v22  }
0x12b: {  	v29 =	vld [tilespmem:s12+$0xFFFFF820];
	v13 =	vsub.f32 $1.000000000e+00, v13;
	v9 =	vsub.f32 $1.500000000e+00, v9;
	v30 =	vmul.f32 v21, v10  }
0x12c: {  	v8 =	vmul.f32 v24, v8;
	v32 =	vmul.f32 v12, v22;
	v31 =	vld [tilespmem:s11+$0xFFFFF820];
	v27 =	vadd.f32 v28, v27  }
0x12d: {  	v14 =	vmul.f32 v14, v24;
	v28 =	vld [tilespmem:s16+$0xFFFFFFF0];
	v4 =	vmul.f32 v9, v4;
	v9 =	vsub.f32 $1.000000000e+00, v13  }
0x12e: {  	v10 =	vmul.f32 v18, v10;
	v8 =	vadd.f32 v32, v8;
	v24 =	vadd.f32 v27, v30;
	v22 =	vpop (erf)  }
0x12f: {  	v11 =	vand.u32 $0xFFFF0000, v11;
	v4 =	vmul.f32 v4, v13;
	v9 =	vmul.f32 v9, v22  }
0x130: {  	v8 =	vadd.f32 v8, v10;
	v10 =	vmul.f32 v26, v12;
	v13 =	vmul.f32 v24, v22  }
0x131: {  	v12 =	vadd.f32 v11, v11;
	v4 =	vadd.f32 v4, v9;
	v9 =	vmul.f32 v21, v18  }
0x132: {  	v8 =	vmul.f32 v8, v22;
	v10 =	vadd.f32 v10, v14;
	v14 =	vmul.f32 $3.000000000e+00, v13  }
0x133: {  	v11 =	vmul.f32 v23, v11;
	v18 =	vsub.f32 v19, v20;
	v19 =	vmul.f32 v4, v4  }
0x134: {  	v9 =	vadd.f32 v10, v9;
	v10 =	vmul.f32 v13, v12;
	v8 =	vmul.f32 v14, v8  }
0x135: {  	v12 =	vmul.f32 v19, v4;
	v4 =	vadd.f32 $-1.000000010e-01, v4;
	v13 =	vadd.f32 $-9.999999770e-03, v19  }
0x136: {  	v6 =	vmul.f32 v7, v6;
	v14 =	vadd.f32 $1.000000000e+01, v18;
	v8 =	vsub.f32 v9, v8  }
0x137: {  	v4 =	vmul.f32 v4, v11;
	v9 =	vmul.f32 v13, v10;
	v10 =	vadd.f32 $-1.000000050e-03, v12  }
0x138: {  	v5 =	vmul.f32 v16, v5;
	v6 =	vmul.f32 v6, v7;
	v11 =	vshll.u32 v2, $0x10  }
0x139: {  	v12 =	vand.u32 $0xFFFF0000, v17;
	v4 =	vadd.f32 v9, v4;
	v8 =	vmul.f32 v10, v8  }
0x13a: {  	v6 =	vsub.f32 $1.500000000e+00, v6;
	v5 =	vmul.f32 v14, v5;
	v9 =	vmul.f32 v11, v25  }
0x13b: {  	v13 =	vmul.f32 v12, v15;
	v10 =	vshll.u32 v29, $0x10;
	v4 =	vadd.f32 v8, v4  }
0x13c: {  	v14 =	vshll.u32 v17, $0x10;
	v5 =	vsub.f32 $1.000000000e+00, v5;
	v8 =	vand.u32 $0xFFFF0000, v31  }
0x13d: {  	v6 =	vmul.f32 v6, v7;
	v7 =	vadd.f32 v13, v9;
	v4 =	vmul.f32 $7.199822900e+00, v4  }
0x13e: {  	vm2 =	vle.f32 v3, $1.000000000e+01;
	v9 =	vsub.f32 $1.000000000e+00, v5;
	v13 =	vmul.f32 v14, v28  }
0x13f: {  	s29 =	sadd.s32 $0x20, s29;
	v3 =	vmul.f32 v10, v25;
	v15 =	vmul.f32 v8, v15;
	v4 =	vnsel vm2, $0x0, v4  }
.Ltmp2:
0x140: {  	v16 =	vshll.u32 v31, $0x10;
	v5 =	vmul.f32 v6, v5;
	v6 =	vmul.f32 v9, v1;
	[tilespmem:s29+$0x0] =	vst v4;
	(pc) =	sbr.rel @p1 .LBB2_3-.Ltmp2, $4  }
0x141: {  	v7 =	vadd.f32 v7, v13;
	v9 =	vmul.f32 v16, v28;
	v3 =	vadd.f32 v15, v3  }
0x142: {  	v11 =	vmul.f32 v11, v10;
	v8 =	vmul.f32 v12, v8;
	v5 =	vadd.f32 v5, v6  }
0x143: {  	v6 =	vmul.f32 v7, v1;
	v4 =	vand.u32 $0xFFFF0000, v29;
	v10 =	vadd.f32 v3, v9  }
0x144: {  	s26 =	sadd.s32 $0x20, s26;
	v7 =	vadd.f32 v8, v11;
	v8 =	vmul.f32 v14, v16;
	v9 =	vmul.f32 v5, v5  }
0x145: {  	v1 =	vmul.f32 v10, v1;
	v3 =	vadd.f32 v4, v4  }
0x146: {  	v10 =	vmul.f32 $3.000000000e+00, v6;
	v2 =	vand.u32 $0xFFFF0000, v2;
	v11 =	vmul.f32 v9, v5  }
0x147: {  	v9 =	vadd.f32 $-9.999999770e-03, v9;
	v5 =	vadd.f32 $-1.000000010e-01, v5;
	v2 =	vmul.f32 v2, v4  }
0x148: {  	v3 =	vmul.f32 v6, v3;
	v1 =	vmul.f32 v10, v1;
	v6 =	vadd.f32 v7, v8  }
0x149: {  	v4 =	vadd.f32 $-1.000000050e-03, v11  }
0x14a: {  	v2 =	vmul.f32 v5, v2;
	v3 =	vmul.f32 v9, v3;
	v1 =	vsub.f32 v6, v1;
	_ =	sdelay $0x1  }
0x14b: {  	v2 =	vadd.f32 v3, v2;
	v1 =	vmul.f32 v4, v1;
	_ =	sdelay $0x1  }
0x14c: {  	v1 =	vadd.f32 v1, v2  }
0x14d: {  	v0 =	vmul.f32 $7.199822900e+00, v0  }
0x14e: {  	vm0 =	vmmov vm0;
	vm1 =	vmmov vm1;
	v1 =	vmul.f32 $7.199822900e+00, v1  }
0x14f: {  	v0 =	vnsel vm0, $0x0, v0;
	vm0 =	vmmov vm1  }
0x150: {  	[tilespmem:s17+$0xFFFFFFF0] =	vst v0;
	v0 =	vnsel vm0, $0x0, v1  }
0x151: {  	[tilespmem:s29+$0xFFFFFFF0] =	vst v0  }
0x152: {  	v0 =	vld [tilespmem:$0x49C0];
	_ =	sdelay $0x4  }
0x153: {  	v1 =	vmul.f32 v0, v0;
	_ =	sdelay $0x1  }
0x154: {  	v1 =	vadd.f32 $1.000000000e+00, v1;
	_ =	sdelay $0x1  }
0x155: {  	v2 =	vmul.f32 $5.000000000e-01, v0;
	v3 =	vshrl.u32 v1, $0x1;
	v1 =	vmul.f32 $5.000000000e-01, v1  }
0x156: {  	v3 =	vsub.s32 $0x5F3759DF, v3  }
0x157: {  	v2 =	vmax.f32 v2, $0.0e+00;
	v4 =	vmul.f32 v3, v1  }
0x158: {  	v2 =	vmin.f32 v2, $1.000000000e+00  }
0x159: {  	v5 =	vmul.f32 v2, v2;
	v4 =	vmul.f32 v3, v4;
	_ =	sdelay $0x1  }
0x15a: {  	v7 =	vmul.f32 $-1.500000000e+01, v2;
	v6 =	vmul.f32 $6.000000000e+00, v5;
	v4 =	vsub.f32 $1.500000000e+00, v4;
	_ =	sdelay $0x1  }
0x15b: {  	v6 =	vadd.f32 v7, v6;
	v3 =	vmul.f32 v3, v4  }
0x15c: {  	v8 =	vld [tilespmem:$0x7190];
	(erf) = vrcp.f32 v0  }
0x15d: {  	v10 =	vld [tilespmem:$0x79C0];
	v2 =	vmul.f32 v5, v2;
	v5 =	vadd.f32 $1.000000000e+01, v6;
	v1 =	vmul.f32 v3, v1  }
0x15e: {  	v7 =	vld [tilespmem:$0x59C0]  }
0x15f: {  	v2 =	vmul.f32 v5, v2;
	v5 =	vld [tilespmem:$0x8190];
	v1 =	vmul.f32 v1, v3  }
0x160: {  	v6 =	vld [tilespmem:$0x69C0]  }
0x161: {  	v4 =	vld [tilespmem:$0x51C0];
	v1 =	vsub.f32 $1.500000000e+00, v1  }
0x162: {  	v2 =	vsub.f32 $1.000000000e+00, v2  }
0x163: {  	v9 =	vld [tilespmem:$0x61C0];
	v12 =	vshll.u32 v8, $0x10;
	v1 =	vmul.f32 v1, v3  }
0x164: {  	v16 =	vand.u32 $0xFFFF0000, v10;
	v14 =	vand.u32 $0xFFFF0000, v5;
	v3 =	vsub.f32 $1.000000000e+00, v2  }
0x165: {  	v13 =	vpop (erf);
	v11 =	vshll.u32 v6, $0x10;
	v15 =	vmul.f32 v14, v7;
	v1 =	vmul.f32 v1, v2  }
0x166: {  	v2 =	vmul.f32 v3, v13;
	v3 =	vshll.u32 v5, $0x10;
	v5 =	vmul.f32 v12, v4  }
0x167: {  	v7 =	vmul.f32 v16, v7;
	v4 =	vmul.f32 v11, v4  }
0x168: {  	v1 =	vadd.f32 v1, v2;
	v2 =	vmul.f32 v3, v9;
	v5 =	vadd.f32 v15, v5  }
0x169: {  	v10 =	vshll.u32 v10, $0x10;
	v4 =	vadd.f32 v7, v4  }
0x16a: {  	v7 =	vmul.f32 v12, v11;
	v2 =	vadd.f32 v5, v2;
	v5 =	vmul.f32 v10, v9  }
0x16b: {  	v8 =	vand.u32 $0xFFFF0000, v8;
	v47 =	vmul.f32 v1, v1;
	v9 =	vmul.f32 v14, v16  }
0x16c: {  	v6 =	vand.u32 $0xFFFF0000, v6;
	v2 =	vmul.f32 v2, v13;
	v4 =	vadd.f32 v4, v5  }
0x16d: {  	v3 =	vmul.f32 v3, v10;
	v5 =	vmul.f32 v47, v1;
	v7 =	vadd.f32 v9, v7  }
0x16e: {  	v9 =	vadd.f32 v6, v6;
	v4 =	vmul.f32 v4, v13;
	v10 =	vmul.f32 $-3.000000000e+00, v2  }
0x16f: {  	v6 =	vmul.f32 v8, v6;
	v1 =	vadd.f32 $-1.000000010e-01, v1;
	v3 =	vadd.f32 v7, v3  }
0x170: {  	v2 =	vmul.f32 v2, v9;
	v7 =	vadd.f32 $-9.999999770e-03, v47;
	v4 =	vmul.f32 v10, v4  }
0x171: {  	v1 =	vmul.f32 v1, v6  }
0x172: {  	v2 =	vmul.f32 v7, v2;
	v3 =	vadd.f32 v4, v3;
	v4 =	vadd.f32 $-1.000000050e-03, v5;
	_ =	sdelay $0x1  }
0x173: {  	v1 =	vadd.f32 v2, v1;
	v2 =	vmul.f32 v4, v3;
	_ =	sdelay $0x1  }
0x174: {  	v1 =	vadd.f32 v2, v1  }
0x175: {  	s11 =	smul.u32 $0xFA0, s10  }
0x176: {  	v1 =	vmul.f32 $7.199822900e+00, v1  }
0x177: {  	s0 =	sadd.s32 s20, s11;
	vm0 =	vle.f32 v0, $1.000000000e+01  }
0x178: {  	s12 =	rddreg [dreg:$0x4];
	s0 =	sshrl.u32 s0, $0x3;
	v0 =	vnsel vm0, $0x0, v1  }
0x179: {  	s16 =	simm.s32 $0x8200;
	p1 =	seq.s32 s10, $0x31;
	s0 =	sadd.s32 s12, s0;
	[tilespmem:$0x89C0] =	vst v0  }
0x17a: {  	[hbm4b:s0+s8] =	stream.linear.scatter [tilespmem:s16], [sflag:$0x4], $0x7D0, $0x38;
	[tilespmem:$0xE200] =	vst v63  }
0x17b: {  	s0 =	sadd.s32 @!p1 s11, s23  }
0x17c: {  	s0 =	sshrl.u32 @!p1 s0, $0x3  }
0x17d: {  	s13 =	simm.s32 @!p1 $0x0;
	s14 =	simm.s32 @!p1 $0x3200;
	s12 =	sadd.s32 @!p1 s3, s0  }
0x17e: {  	[tilespmem:s14], [sflag:$0x1] =	stream.linear.gather @!p1 [hbm4b:s12+s13], $0x7D0, $0x38;
	[tilespmem:$0xE200] =	vst v63  }
0x17f: {  	s16 =	simm.s32 @!p1 $0x39D0;
	s12 =	sadd.s32 @!p1 s4, s0  }
0x180: {  	[tilespmem:s16], [sflag:$0x1] =	stream.linear.gather @!p1 [hbm4b:s12+s13], $0x7D0, $0x38;
	[tilespmem:$0xE200] =	vst v63  }
0x181: {  	s12 =	sadd.s32 @!p1 s2, s0;
	s16 =	simm.s32 @!p1 $0x4200  }
0x182: {  	[tilespmem:s16], [sflag:$0x2] =	stream.linear.gather @!p1 [hbm4b:s12+s13], $0x7D0, $0x38;
	[tilespmem:$0xE200] =	vst v63  }
0x183: {  	s12 =	sadd.s32 @!p1 s9, s0;
	s16 =	simm.s32 @!p1 $0x4A00  }
0x184: {  	[tilespmem:s16], [sflag:$0x2] =	stream.linear.gather @!p1 [hbm4b:s12+s13], $0x7D0, $0x38;
	[tilespmem:$0xE200] =	vst v63  }
0x185: {  	s12 =	sadd.s32 @!p1 s18, s0;
	s16 =	simm.s32 @!p1 $0x5200  }
0x186: {  	[tilespmem:s16], [sflag:$0x2] =	stream.linear.gather @!p1 [hbm4b:s12+s13], $0x7D0, $0x38;
	[tilespmem:$0xE200] =	vst v63  }
0x187: {  	s0 =	sadd.s32 @!p1 s19, s0;
	s12 =	simm.s32 @!p1 $0x5A00  }
0x188: {  	[tilespmem:s12], [sflag:$0x2] =	stream.linear.gather @!p1 [hbm4b:s0+s13], $0x7D0, $0x38;
	[tilespmem:$0xE200] =	vst v63  }
0x189: {  	s0 =	simm.s32 @!p1 $0x1  }
0x18a: {  	_ =	swait.ge @!p1 [sflag:s0], $0xFA0  }
0x18b: {  	[sflag:s0] =	ssyncset.done @!p1 $0x0  }
0x18c: {  	s12 =	simm.s32 @!p1 $0x6200;
	[sflag:s0] =	ssyncadd.s32 @!p1 $0xFFFFF060;
	s0 =	simm.s32 @!p1 $0xFA0  }
0x18d: {  	[tilespmem:s12], [sflag:$0x3] =	stream.indirect.gather @!p1 [spmem:s5], $0x1, s14, s0, $0xb8;
	[tilespmem:$0xE200] =	vst v63  }
0x18e: {  	s12 =	simm.s32 @!p1 $0x7200  }
0x18f: {  	[tilespmem:s12], [sflag:$0x3] =	stream.indirect.gather @!p1 [spmem:s6], $0x1, s14, s0, $0xb8;
	[tilespmem:$0xE200] =	vst v63  }
0x190: {  	_ =	swait.ge [sflag:s30], $0x7D0  }
0x191: {  	[sflag:s30] =	ssyncset.done $0x0  }
0x192: {  	[sflag:s30] =	ssyncadd.s32 $0xFFFFF830  }
0x193: {  	_ =	swait.ge [sflag:s30], $0x7D0  }
0x194: {  	[sflag:s30] =	ssyncset.done $0x0  }
0x195: {  	[sflag:s30] =	ssyncadd.s32 $0xFFFFF830  }
0x196: {  	_ =	swait.ge [sflag:s30], $0x7D0  }
0x197: {  	[sflag:s30] =	ssyncset.done $0x0  }
0x198: {  	[sflag:s30] =	ssyncadd.s32 $0xFFFFF830  }
0x199: {  	_ =	swait.ge [sflag:s30], $0x7D0  }
0x19a: {  	[sflag:s30] =	ssyncset.done $0x0  }
0x19b: {  	[sflag:s30] =	ssyncadd.s32 $0xFFFFF830  }
0x19c: {  	_ =	swait.ge [sflag:s25], $0xFA0  }
0x19d: {  	[sflag:s25] =	ssyncset.done $0x0  }
0x19e: {  	[sflag:s25] =	ssyncadd.s32 $0xFFFFF060  }
0x19f: {  	_ =	swait.ge [sflag:s25], $0xFA0  }
0x1a0: {  	[sflag:s25] =	ssyncset.done $0x0  }
0x1a1: {  	s0 =	simm.s32 @!p0 $0x8;
	[sflag:s25] =	ssyncadd.s32 $0xFFFFF060  }
0x1a2: {  	_ =	swait.ge @!p0 [sflag:s0], $0x7D0  }
0x1a3: {  	[sflag:s0] =	ssyncset.done @!p0 $0x0  }
0x1a4: {  	s17 =	simm.s32 $0x9A10;
	[sflag:s0] =	ssyncadd.s32 @!p0 $0xFFFFF830  }
0x1a5: {  	v0 =	vld [tilespmem:s17+$0x0]  }
0x1a6: {  	s0 =	simm.s32 $0xD1E0;
	v1 =	vld [tilespmem:s17+$0xFFFFFFF0]  }
0x1a7: {  	s26 =	simm.s32 $0xC1E0;
	v10 =	vld [tilespmem:s0+$0xFFFFF830]  }
0x1a8: {  	v11 =	vld [tilespmem:s26+$0x0]  }
0x1a9: {  	v50 =	vld [tilespmem:s26+$0xFFFFF830]  }
0x1aa: {  	v19 =	vld [tilespmem:s0+$0x0];
	_ =	sdelay $0x1  }
0x1ab: {  	v2 =	vmul.f32 v0, v0;
	v3 =	vmul.f32 v1, v1  }
0x1ac: {  	s16 =	simm.s32 $0xAA10;
	v4 =	vmul.f32 $5.000000000e-01, v1;
	v5 =	vmul.f32 $5.000000000e-01, v0  }
0x1ad: {  	v20 =	vld [tilespmem:s16+$0x0];
	(erf) = vrcp.f32 v1;
	vm0 =	vle.f32 v1, $1.000000000e+01;
	v53 =	vshll.u32 v10, $0x10  }
0x1ae: {  	v54 =	vshll.u32 v50, $0x10;
	v55 =	vshll.u32 v11, $0x10;
	v21 =	vand.u32 $0xFFFF0000, v19  }
0x1af: {  	v19 =	vshll.u32 v19, $0x10;
	v11 =	vand.u32 $0xFFFF0000, v11;
	v2 =	vadd.f32 $1.000000000e+00, v2  }
0x1b0: {  	v14 =	vand.u32 $0xFFFF0000, v50;
	(erf) = vrcp.f32 v0;
	v3 =	vadd.f32 $1.000000000e+00, v3  }
0x1b1: {  	v60 =	vld [tilespmem:s0+$0xFFFFFFF0];
	v5 =	vmax.f32 v5, $0.0e+00;
	v6 =	vshrl.u32 v2, $0x1;
	v2 =	vmul.f32 $5.000000000e-01, v2  }
0x1b2: {  	v22 =	vmul.f32 v21, v20;
	v5 =	vmin.f32 v5, $1.000000000e+00;
	v6 =	vsub.s32 $0x5F3759DF, v6  }
0x1b3: {  	v7 =	vshrl.u32 v3, $0x1;
	v3 =	vmul.f32 $5.000000000e-01, v3;
	v8 =	vmul.f32 v6, v2  }
0x1b4: {  	s13 =	simm.s32 $0xA210;
	v4 =	vmax.f32 v4, $0.0e+00;
	v48 =	vmul.f32 v5, v5;
	v7 =	vsub.s32 $0x5F3759DF, v7  }
0x1b5: {  	v51 =	vld [tilespmem:s13+$0x0];
	v4 =	vmin.f32 v4, $1.000000000e+00;
	v9 =	vmul.f32 v7, v3;
	v8 =	vmul.f32 v6, v8  }
0x1b6: {  	v26 =	vand.u32 $0xFFFF0000, v60;
	v49 =	vmul.f32 v4, v4;
	v17 =	vmul.f32 $1.500000000e+01, v5  }
0x1b7: {  	s12 =	simm.s32 $0xD200;
	v52 =	vmul.f32 $6.000000000e+00, v48;
	v9 =	vmul.f32 v7, v9;
	v8 =	vsub.f32 $1.500000000e+00, v8  }
0x1b8: {  	v30 =	vld [tilespmem:s12+$0xFFFFF830];
	vm1 =	vle.f32 v0, $1.000000000e+01;
	v1 =	vmul.f32 $1.500000000e+01, v4;
	v18 =	vmul.f32 $6.000000000e+00, v49  }
0x1b9: {  	v16 =	vsub.f32 v52, v17;
	v9 =	vsub.f32 $1.500000000e+00, v9;
	v6 =	vmul.f32 v6, v8  }
0x1ba: {  	s17 =	simm.s32 $0xB210;
	v15 =	vmul.f32 v54, v51;
	v5 =	vmul.f32 v48, v5;
	v1 =	vsub.f32 v18, v1  }
0x1bb: {  	v7 =	vmul.f32 v7, v9;
	v8 =	vld [tilespmem:s17+$0x0];
	v9 =	vadd.f32 $1.000000000e+01, v16;
	v2 =	vmul.f32 v6, v2  }
0x1bc: {  	v11 =	vmul.f32 v11, v14;
	v4 =	vmul.f32 v49, v4;
	v1 =	vadd.f32 $1.000000000e+01, v1  }
0x1bd: {  	v12 =	vand.u32 $0xFFFF0000, v30;
	v5 =	vmul.f32 v9, v5;
	v2 =	vmul.f32 v2, v6  }
0x1be: {  	v1 =	vmul.f32 v1, v4;
	v9 =	vand.u32 $0xFFFF0000, v10;
	v10 =	vmul.f32 v55, v51  }
0x1bf: {  	v20 =	vmul.f32 v9, v20;
	v5 =	vsub.f32 $1.000000000e+00, v5;
	v2 =	vsub.f32 $1.500000000e+00, v2  }
0x1c0: {  	v10 =	vadd.f32 v22, v10;
	v23 =	vmul.f32 v19, v8;
	v8 =	vmul.f32 v53, v8  }
0x1c1: {  	v56 =	vpop (erf);
	v15 =	vadd.f32 v20, v15;
	v2 =	vmul.f32 v2, v6;
	v6 =	vsub.f32 $1.000000000e+00, v5  }
0x1c2: {  	v57 =	vpop (erf);
	v3 =	vmul.f32 v7, v3;
	v9 =	vmul.f32 v21, v9;
	v10 =	vadd.f32 v10, v23  }
0x1c3: {  	v8 =	vadd.f32 v15, v8;
	v2 =	vmul.f32 v2, v5;
	v5 =	vmul.f32 v6, v57  }
0x1c4: {  	v58 =	vadd.f32 v14, v14;
	v10 =	vmul.f32 v10, v57;
	v6 =	vmul.f32 v55, v54  }
0x1c5: {  	v63 =	vld [tilespmem:s26+$0xFFFFF820];
	v3 =	vmul.f32 v3, v7;
	v8 =	vmul.f32 v8, v57;
	v2 =	vadd.f32 v2, v5  }
0x1c6: {  	v39 =	vld [tilespmem:s12+$0x0];
	v59 =	vmul.f32 $3.000000000e+00, v10;
	v5 =	vmul.f32 v19, v53;
	v6 =	vadd.f32 v9, v6  }
0x1c7: {  	v24 =	vld [tilespmem:s17+$0xFFFFFFF0];
	v16 =	vshll.u32 v60, $0x10;
	v3 =	vsub.f32 $1.500000000e+00, v3;
	v61 =	vmul.f32 v2, v2  }
0x1c8: {  	v10 =	vmul.f32 v10, v58;
	v9 =	vld [tilespmem:s26+$0xFFFFFFF0];
	v8 =	vmul.f32 v59, v8;
	v5 =	vadd.f32 v6, v5  }
0x1c9: {  	v6 =	vld [tilespmem:s13+$0xFFFFFFF0];
	v62 =	vadd.f32 $-1.000000010e-01, v2;
	v2 =	vmul.f32 v61, v2;
	v21 =	vadd.f32 $-9.999999770e-03, v61  }
0x1ca: {  	v1 =	vsub.f32 $1.000000000e+00, v1;
	v23 =	vld [tilespmem:s16+$0xFFFFFFF0];
	v3 =	vmul.f32 v3, v7;
	v5 =	vsub.f32 v5, v8  }
0x1cb: {  	v8 =	vmul.f32 v62, v11;
	v10 =	vmul.f32 v21, v10;
	v2 =	vadd.f32 $-1.000000050e-03, v2  }
0x1cc: {  	v27 =	vmul.f32 v16, v24;
	v7 =	vsub.f32 $1.000000000e+00, v1;
	v0 =	vmul.f32 v3, v1;
	v11 =	vld [tilespmem:s0+$0xFFFFF820]  }
0x1cd: {  	v49 =	vld [tilespmem:s12+$0xFFFFFFF0];
	v25 =	vshll.u32 v9, $0x10;
	v8 =	vadd.f32 v10, v8;
	v2 =	vmul.f32 v2, v5  }
0x1ce: {  	v44 =	vand.u32 $0xFFFF0000, v39;
	s16 =	simm.s32 $0xAA30;
	v1 =	vmul.f32 v7, v56;
	v4 =	vmul.f32 v25, v6  }
0x1cf: {  	v40 =	vld [tilespmem:s16+$0x0];
	v5 =	vshll.u32 v63, $0x10;
	v10 =	vmul.f32 v26, v23;
	v2 =	vadd.f32 v2, v8  }
0x1d0: {  	v0 =	vadd.f32 v0, v1;
	v6 =	vmul.f32 v5, v6;
	v1 =	vmul.f32 v25, v5  }
0x1d1: {  	v8 =	vand.u32 $0xFFFF0000, v11;
	v4 =	vadd.f32 v10, v4;
	v2 =	vmul.f32 $7.199822900e+00, v2  }
0x1d2: {  	v58 =	vand.u32 $0xFFFF0000, v49;
	v10 =	vmul.f32 v8, v23;
	v5 =	vmul.f32 v26, v8  }
0x1d3: {  	v4 =	vadd.f32 v4, v27;
	v3 =	vnsel vm1, $0x0, v2;
	v2 =	vshll.u32 v11, $0x10  }
0x1d4: {  	v22 =	vmul.f32 v12, v40;
	v6 =	vadd.f32 v10, v6;
	v7 =	vmul.f32 v2, v24  }
0x1d5: {  	s26 =	simm.s32 $0x9A30;
	v8 =	vand.u32 $0xFFFF0000, v63;
	v1 =	vadd.f32 v5, v1;
	v10 =	vmul.f32 v4, v56  }
0x1d6: {  	v5 =	vadd.f32 v8, v8;
	v4 =	vld [tilespmem:s26+$0x0];
	v6 =	vadd.f32 v6, v7;
	v7 =	vmul.f32 v0, v0  }
0x1d7: {  	v28 =	vld [tilespmem:s26+$0xFFFFFFF0];
	v9 =	vand.u32 $0xFFFF0000, v9;
	v2 =	vmul.f32 v16, v2;
	v11 =	vmul.f32 $3.000000000e+00, v10  }
0x1d8: {  	v53 =	vld [tilespmem:s16+$0xFFFFFFF0];
	v5 =	vmul.f32 v10, v5;
	v6 =	vmul.f32 v6, v56;
	v29 =	vadd.f32 $-9.999999770e-03, v7  }
0x1d9: {  	v8 =	vmul.f32 v9, v8;
	v7 =	vmul.f32 v7, v0;
	v0 =	vadd.f32 $-1.000000010e-01, v0  }
0x1da: {  	v1 =	vadd.f32 v1, v2;
	v6 =	vmul.f32 v11, v6;
	v2 =	vmul.f32 v29, v5  }
0x1db: {  	v5 =	vadd.f32 $-1.000000050e-03, v7;
	v7 =	vmul.f32 v4, v4;
	v0 =	vmul.f32 v0, v8  }
0x1dc: {  	v8 =	vmul.f32 v28, v28;
	v1 =	vsub.f32 v1, v6;
	v6 =	vmul.f32 $5.000000000e-01, v28  }
0x1dd: {  	v12 =	vmul.f32 v44, v12;
	v60 =	vmul.f32 v58, v53;
	v7 =	vadd.f32 $1.000000000e+00, v7  }
0x1de: {  	v0 =	vadd.f32 v2, v0;
	v2 =	vmax.f32 v6, $0.0e+00;
	v6 =	vadd.f32 $1.000000000e+00, v8  }
0x1df: {  	v8 =	vmul.f32 $5.000000000e-01, v4;
	v9 =	vshrl.u32 v7, $0x1;
	v7 =	vmul.f32 $5.000000000e-01, v7  }
0x1e0: {  	v9 =	vsub.s32 $0x5F3759DF, v9;
	v10 =	vshrl.u32 v6, $0x1;
	v6 =	vmul.f32 $5.000000000e-01, v6  }
0x1e1: {  	v8 =	vmax.f32 v8, $0.0e+00;
	v11 =	vmul.f32 v9, v7;
	v10 =	vsub.s32 $0x5F3759DF, v10  }
0x1e2: {  	s13 =	simm.s32 $0xC200;
	v1 =	vmul.f32 v5, v1;
	v8 =	vmin.f32 v8, $1.000000000e+00;
	v5 =	vmul.f32 v10, v6  }
0x1e3: {  	v41 =	vshll.u32 v30, $0x10;
	v55 =	vld [tilespmem:s13+$0xFFFFF820];
	v32 =	vmul.f32 v8, v8;
	v11 =	vmul.f32 v9, v11  }
0x1e4: {  	v31 =	vmin.f32 v2, $1.000000000e+00;
	v0 =	vadd.f32 v1, v0;
	v1 =	vmul.f32 v10, v5  }
0x1e5: {  	s14 =	simm.s32 $0xA230;
	v2 =	vld [tilespmem:s13+$0x0];
	v36 =	vmul.f32 $1.500000000e+01, v8;
	v35 =	vmul.f32 $6.000000000e+00, v32;
	v11 =	vsub.f32 $1.500000000e+00, v11  }
0x1e6: {  	v34 =	vld [tilespmem:s14+$0x0];
	(erf) = vrcp.f32 v28;
	v24 =	vmul.f32 v44, v40;
	v1 =	vsub.f32 $1.500000000e+00, v1  }
0x1e7: {  	(erf) = vrcp.f32 v4;
	v5 =	vld [tilespmem:s13+$0xFFFFF830];
	v17 =	vsub.f32 v35, v36;
	v9 =	vmul.f32 v9, v11  }
0x1e8: {  	s17 =	simm.s32 $0xB230;
	v59 =	vshll.u32 v55, $0x10;
	v33 =	vmul.f32 v31, v31;
	v10 =	vmul.f32 v10, v1  }
0x1e9: {  	v11 =	vld [tilespmem:s17+$0x0];
	v1 =	vmul.f32 v32, v8;
	v8 =	vadd.f32 $1.000000000e+01, v17;
	v7 =	vmul.f32 v9, v7  }
0x1ea: {  	v38 =	vmul.f32 $1.500000000e+01, v31;
	v37 =	vmul.f32 $6.000000000e+00, v33;
	v42 =	vand.u32 $0xFFFF0000, v2  }
0x1eb: {  	v2 =	vshll.u32 v2, $0x10;
	v1 =	vmul.f32 v8, v1;
	v7 =	vmul.f32 v7, v9  }
0x1ec: {  	v13 =	vmul.f32 v33, v31;
	v45 =	vmul.f32 v2, v34;
	v43 =	vshll.u32 v5, $0x10  }
0x1ed: {  	v8 =	vshll.u32 v39, $0x10;
	v25 =	vsub.f32 $1.000000000e+00, v1;
	v7 =	vsub.f32 $1.500000000e+00, v7  }
0x1ee: {  	v21 =	vadd.f32 v24, v45;
	v16 =	vmul.f32 v43, v34;
	v26 =	vmul.f32 v8, v11  }
0x1ef: {  	v14 =	vmul.f32 v2, v43;
	v1 =	vpop (erf);
	v7 =	vmul.f32 v7, v9;
	v9 =	vsub.f32 $1.000000000e+00, v25  }
0x1f0: {  	v11 =	vmul.f32 v41, v11;
	v16 =	vadd.f32 v22, v16;
	v2 =	vadd.f32 v21, v26;
	v46 =	vpop (erf)  }
0x1f1: {  	vm2 =	vle.f32 v4, $1.000000000e+01;
	v7 =	vmul.f32 v7, v25;
	v9 =	vmul.f32 v9, v46  }
0x1f2: {  	v5 =	vand.u32 $0xFFFF0000, v5;
	v11 =	vadd.f32 v16, v11;
	v47 =	vmul.f32 v2, v46  }
0x1f3: {  	v8 =	vmul.f32 v8, v41;
	v12 =	vadd.f32 v12, v14;
	v7 =	vadd.f32 v7, v9  }
0x1f4: {  	v11 =	vmul.f32 v11, v46;
	v9 =	vadd.f32 v5, v5;
	v48 =	vmul.f32 $3.000000000e+00, v47  }
0x1f5: {  	v52 =	vld [tilespmem:s14+$0xFFFFFFF0];
	v50 =	vsub.f32 v37, v38;
	v5 =	vmul.f32 v42, v5;
	v51 =	vmul.f32 v7, v7  }
0x1f6: {  	v57 =	vld [tilespmem:s17+$0xFFFFFFF0];
	v8 =	vadd.f32 v12, v8;
	v9 =	vmul.f32 v47, v9;
	v11 =	vmul.f32 v48, v11  }
0x1f7: {  	v2 =	vld [tilespmem:s13+$0xFFFFFFF0];
	v54 =	vmul.f32 v51, v7;
	v7 =	vadd.f32 $-1.000000010e-01, v7;
	v18 =	vadd.f32 $-9.999999770e-03, v51  }
0x1f8: {  	v17 =	vadd.f32 $1.000000000e+01, v50;
	v6 =	vmul.f32 v10, v6;
	v8 =	vsub.f32 v8, v11  }
0x1f9: {  	v11 =	vld [tilespmem:s12+$0xFFFFF820];
	v5 =	vmul.f32 v7, v5;
	v7 =	vmul.f32 v18, v9;
	v9 =	vadd.f32 $-1.000000050e-03, v54  }
0x1fa: {  	v4 =	vmul.f32 v59, v52;
	v6 =	vmul.f32 v6, v10;
	v16 =	vshll.u32 v49, $0x10  }
0x1fb: {  	v5 =	vadd.f32 v7, v5;
	v7 =	vmul.f32 v9, v8;
	v8 =	vmul.f32 v17, v13  }
0x1fc: {  	v6 =	vsub.f32 $1.500000000e+00, v6;
	v61 =	vmul.f32 v16, v57;
	v56 =	vshll.u32 v2, $0x10  }
0x1fd: {  	v9 =	vmul.f32 v56, v52;
	v5 =	vadd.f32 v7, v5;
	v8 =	vsub.f32 $1.000000000e+00, v8  }
0x1fe: {  	v6 =	vmul.f32 v6, v10;
	v63 =	vmul.f32 v56, v59;
	v7 =	vand.u32 $0xFFFF0000, v11  }
0x1ff: {  	v9 =	vadd.f32 v60, v9;
	v5 =	vmul.f32 $7.199822900e+00, v5;
	v10 =	vsub.f32 $1.000000000e+00, v8  }
0x200: {  	v11 =	vshll.u32 v11, $0x10;
	v12 =	vmul.f32 v7, v53;
	v7 =	vmul.f32 v58, v7  }
0x201: {  	v62 =	vnsel vm2, $0x0, v5;
	v5 =	vmul.f32 v6, v8;
	v6 =	vmul.f32 v10, v1  }
0x202: {  	v8 =	vadd.f32 v9, v61;
	v9 =	vadd.f32 v12, v4;
	v10 =	vmul.f32 v11, v57  }
0x203: {  	s29 =	simm.s32 $0xDA10;
	vm0 =	vmmov vm0;
	vm1 =	vle.f32 v28, $1.000000000e+01;
	v5 =	vadd.f32 v5, v6  }
0x204: {  	s28 =	simm.s32 $0xDA30;
	[tilespmem:s29+$0x0] =	vst v3;
	v7 =	vadd.f32 v7, v63;
	v6 =	vmul.f32 v8, v1;
	v10 =	vadd.f32 v9, v10  }
0x205: {  	s0 =	simm.s32 $0x9A50;
	s26 =	simm.s32 $0x2;
	v4 =	vand.u32 $0xFFFF0000, v55;
	[tilespmem:s28+$0x0] =	vst v62;
	v8 =	vmul.f32 v16, v11;
	v9 =	vmul.f32 v5, v5  }
.LBB2_5:
0x206: {  	v1 =	vmul.f32 v10, v1;
	v10 =	vadd.f32 v4, v4  }
0x207: {  	v3 =	vld [tilespmem:s0+$0x0];
	s26 =	sadd.s32 $0x2, s26;
	v11 =	vmul.f32 $3.000000000e+00, v6;
	vm2 =	vmmov vm0;
	vm0 =	vmmov vm1  }
0x208: {  	v2 =	vand.u32 $0xFFFF0000, v2;
	v12 =	vld [tilespmem:s0+$0xFFFFFFF0];
	p0 =	slt.u32 s26, $0x7A;
	v13 =	vmul.f32 v9, v5;
	v9 =	vadd.f32 $-9.999999770e-03, v9  }
0x209: {  	v5 =	vadd.f32 $-1.000000010e-01, v5;
	v6 =	vmul.f32 v6, v10;
	v1 =	vmul.f32 v11, v1  }
0x20a: {  	v7 =	vadd.f32 v7, v8;
	v2 =	vmul.f32 v2, v4;
	v4 =	vadd.f32 $-1.000000050e-03, v13  }
0x20b: {  	v8 =	vmul.f32 $7.199822900e+00, v0;
	v6 =	vmul.f32 v9, v6  }
0x20c: {  	v2 =	vmul.f32 v5, v2;
	v1 =	vsub.f32 v7, v1;
	v0 =	vmul.f32 v3, v3  }
0x20d: {  	v5 =	vmul.f32 $5.000000000e-01, v12;
	v7 =	vmul.f32 v12, v12;
	vm1 =	vle.f32 v12, $1.000000000e+01  }
0x20e: {  	v2 =	vadd.f32 v6, v2;
	v0 =	vadd.f32 $1.000000000e+00, v0;
	(erf) = vrcp.f32 v12  }
0x20f: {  	v1 =	vmul.f32 v4, v1;
	v5 =	vmax.f32 v5, $0.0e+00;
	v6 =	vadd.f32 $1.000000000e+00, v7  }
0x210: {  	v4 =	vmul.f32 $5.000000000e-01, v3;
	v7 =	vshrl.u32 v0, $0x1;
	v9 =	vmul.f32 $5.000000000e-01, v0  }
0x211: {  	v0 =	vshrl.u32 v6, $0x1;
	v6 =	vmul.f32 $5.000000000e-01, v6;
	v7 =	vsub.s32 $0x5F3759DF, v7  }
0x212: {  	s12 =	sadd.s32 $0x20, s12;
	v10 =	vsub.s32 $0x5F3759DF, v0;
	v0 =	vmax.f32 v4, $0.0e+00;
	v4 =	vmul.f32 v7, v9  }
0x213: {  	s13 =	sadd.s32 $0x20, s13;
	v5 =	vmin.f32 v5, $1.000000000e+00;
	v11 =	vmul.f32 v10, v6;
	v12 =	vld [tilespmem:s12+$0xFFFFF830];
	v13 =	vmin.f32 v0, $1.000000000e+00  }
0x214: {  	v0 =	vadd.f32 v1, v2;
	v14 =	vld [tilespmem:s13+$0x0];
	v15 =	vmul.f32 v13, v13;
	v4 =	vmul.f32 v7, v4  }
0x215: {  	s14 =	sadd.s32 $0x20, s14;
	v16 =	vmul.f32 v5, v5;
	v2 =	vnsel vm2, $0x0, v8;
	v22 =	vmul.f32 v10, v11;
	v11 =	vld [tilespmem:s13+$0xFFFFF830]  }
0x216: {  	v18 =	vmul.f32 $1.500000000e+01, v13;
	v8 =	vld [tilespmem:s14+$0x0];
	v17 =	vmul.f32 $6.000000000e+00, v15;
	v4 =	vsub.f32 $1.500000000e+00, v4;
	[tilespmem:s29+$0xFFFFFFF0] =	vst v2;
	s29 =	smov.u32 s28  }
0x217: {  	s16 =	sadd.s32 $0x20, s16;
	v20 =	vmul.f32 $1.500000000e+01, v5;
	v19 =	vmul.f32 $6.000000000e+00, v16;
	v2 =	vsub.f32 $1.500000000e+00, v22;
	v21 =	vld [tilespmem:s12+$0x0];
	v1 =	vpop (erf)  }
0x218: {  	s17 =	sadd.s32 $0x20, s17;
	v22 =	vld [tilespmem:s16+$0x0];
	v17 =	vsub.f32 v17, v18;
	v4 =	vmul.f32 v7, v4;
	(erf) = vrcp.f32 v3  }
0x219: {  	v18 =	vshll.u32 v12, $0x10;
	v7 =	vmul.f32 v10, v2;
	v10 =	vld [tilespmem:s17+$0x0];
	v23 =	vand.u32 $0xFFFF0000, v14  }
0x21a: {  	v13 =	vmul.f32 v15, v13;
	v2 =	vld [tilespmem:s13+$0xFFFFFFF0];
	v15 =	vadd.f32 $1.000000000e+01, v17;
	v9 =	vmul.f32 v4, v9  }
0x21b: {  	v12 =	vand.u32 $0xFFFF0000, v12;
	v14 =	vshll.u32 v14, $0x10;
	v24 =	vshll.u32 v11, $0x10;
	v17 =	vld [tilespmem:s12+$0xFFFFFFF0]  }
0x21c: {  	v25 =	vld [tilespmem:s14+$0xFFFFFFF0];
	v26 =	vand.u32 $0xFFFF0000, v21;
	v13 =	vmul.f32 v15, v13;
	v9 =	vmul.f32 v9, v4  }
0x21d: {  	v27 =	vmul.f32 v14, v8;
	v21 =	vshll.u32 v21, $0x10;
	v15 =	vld [tilespmem:s16+$0xFFFFFFF0];
	v28 =	vmul.f32 v26, v22  }
0x21e: {  	v29 =	vld [tilespmem:s13+$0xFFFFF820];
	v13 =	vsub.f32 $1.000000000e+00, v13;
	v9 =	vsub.f32 $1.500000000e+00, v9;
	v30 =	vmul.f32 v21, v10  }
0x21f: {  	v8 =	vmul.f32 v24, v8;
	v32 =	vmul.f32 v12, v22;
	v31 =	vld [tilespmem:s12+$0xFFFFF820];
	v27 =	vadd.f32 v28, v27  }
0x220: {  	v14 =	vmul.f32 v14, v24;
	v28 =	vld [tilespmem:s17+$0xFFFFFFF0];
	v4 =	vmul.f32 v9, v4;
	v9 =	vsub.f32 $1.000000000e+00, v13  }
0x221: {  	v10 =	vmul.f32 v18, v10;
	v8 =	vadd.f32 v32, v8;
	v24 =	vadd.f32 v27, v30;
	v22 =	vpop (erf)  }
0x222: {  	v11 =	vand.u32 $0xFFFF0000, v11;
	v4 =	vmul.f32 v4, v13;
	v9 =	vmul.f32 v9, v22  }
0x223: {  	v8 =	vadd.f32 v8, v10;
	v10 =	vmul.f32 v26, v12;
	v13 =	vmul.f32 v24, v22  }
0x224: {  	v12 =	vadd.f32 v11, v11;
	v4 =	vadd.f32 v4, v9;
	v9 =	vmul.f32 v21, v18  }
0x225: {  	v8 =	vmul.f32 v8, v22;
	v10 =	vadd.f32 v10, v14;
	v14 =	vmul.f32 $3.000000000e+00, v13  }
0x226: {  	v11 =	vmul.f32 v23, v11;
	v18 =	vsub.f32 v19, v20;
	v19 =	vmul.f32 v4, v4  }
0x227: {  	v9 =	vadd.f32 v10, v9;
	v10 =	vmul.f32 v13, v12;
	v8 =	vmul.f32 v14, v8  }
0x228: {  	v12 =	vmul.f32 v19, v4;
	v4 =	vadd.f32 $-1.000000010e-01, v4;
	v13 =	vadd.f32 $-9.999999770e-03, v19  }
0x229: {  	v6 =	vmul.f32 v7, v6;
	v14 =	vadd.f32 $1.000000000e+01, v18;
	v8 =	vsub.f32 v9, v8  }
0x22a: {  	v4 =	vmul.f32 v4, v11;
	v9 =	vmul.f32 v13, v10;
	v10 =	vadd.f32 $-1.000000050e-03, v12  }
0x22b: {  	v5 =	vmul.f32 v16, v5;
	v6 =	vmul.f32 v6, v7;
	v11 =	vshll.u32 v2, $0x10  }
0x22c: {  	v12 =	vand.u32 $0xFFFF0000, v17;
	v4 =	vadd.f32 v9, v4;
	v8 =	vmul.f32 v10, v8  }
0x22d: {  	v6 =	vsub.f32 $1.500000000e+00, v6;
	v5 =	vmul.f32 v14, v5;
	v9 =	vmul.f32 v11, v25  }
0x22e: {  	v13 =	vmul.f32 v12, v15;
	v10 =	vshll.u32 v29, $0x10;
	v4 =	vadd.f32 v8, v4  }
0x22f: {  	v14 =	vshll.u32 v17, $0x10;
	v5 =	vsub.f32 $1.000000000e+00, v5;
	v8 =	vand.u32 $0xFFFF0000, v31  }
0x230: {  	v6 =	vmul.f32 v6, v7;
	v7 =	vadd.f32 v13, v9;
	v4 =	vmul.f32 $7.199822900e+00, v4  }
0x231: {  	vm2 =	vle.f32 v3, $1.000000000e+01;
	v9 =	vsub.f32 $1.000000000e+00, v5;
	v13 =	vmul.f32 v14, v28  }
0x232: {  	s28 =	sadd.s32 $0x20, s28;
	v3 =	vmul.f32 v10, v25;
	v15 =	vmul.f32 v8, v15;
	v4 =	vnsel vm2, $0x0, v4  }
.Ltmp3:
0x233: {  	v16 =	vshll.u32 v31, $0x10;
	v5 =	vmul.f32 v6, v5;
	v6 =	vmul.f32 v9, v1;
	[tilespmem:s28+$0x0] =	vst v4;
	(pc) =	sbr.rel @p0 .LBB2_5-.Ltmp3, $4  }
0x234: {  	v7 =	vadd.f32 v7, v13;
	v9 =	vmul.f32 v16, v28;
	v3 =	vadd.f32 v15, v3  }
0x235: {  	v11 =	vmul.f32 v11, v10;
	v8 =	vmul.f32 v12, v8;
	v5 =	vadd.f32 v5, v6  }
0x236: {  	v6 =	vmul.f32 v7, v1;
	v4 =	vand.u32 $0xFFFF0000, v29;
	v10 =	vadd.f32 v3, v9  }
0x237: {  	s0 =	sadd.s32 $0x20, s0;
	v7 =	vadd.f32 v8, v11;
	v8 =	vmul.f32 v14, v16;
	v9 =	vmul.f32 v5, v5  }
0x238: {  	v1 =	vmul.f32 v10, v1;
	v3 =	vadd.f32 v4, v4  }
0x239: {  	v27 =	vmul.f32 $3.000000000e+00, v6;
	v2 =	vand.u32 $0xFFFF0000, v2;
	v29 =	vadd.f32 $-1.000000010e-01, v5  }
0x23a: {  	v11 =	vmul.f32 v9, v5;
	v28 =	vadd.f32 $-9.999999770e-03, v9;
	v2 =	vmul.f32 v2, v4  }
0x23b: {  	v30 =	vadd.f32 v7, v8;
	v3 =	vmul.f32 v6, v3;
	v1 =	vmul.f32 v27, v1  }
0x23c: {  	v31 =	vadd.f32 $-1.000000050e-03, v11  }
0x23d: {  	v2 =	vmul.f32 v29, v2;
	v3 =	vmul.f32 v28, v3;
	v1 =	vsub.f32 v30, v1;
	_ =	sdelay $0x1  }
0x23e: {  	v2 =	vadd.f32 v3, v2;
	v1 =	vmul.f32 v31, v1;
	_ =	sdelay $0x1  }
0x23f: {  	v1 =	vadd.f32 v1, v2  }
0x240: {  	v0 =	vmul.f32 $7.199822900e+00, v0  }
0x241: {  	vm0 =	vmmov vm0;
	vm1 =	vmmov vm1;
	v1 =	vmul.f32 $7.199822900e+00, v1  }
0x242: {  	vm14 =	vmmov vm1;
	v0 =	vnsel vm0, $0x0, v0  }
0x243: {  	[tilespmem:s29+$0xFFFFFFF0] =	vst v0;
	v32 =	vnsel vm14, $0x0, v1  }
0x244: {  	[tilespmem:s28+$0xFFFFFFF0] =	vst v32  }
0x245: {  	v0 =	vld [tilespmem:$0xA1C0];
	_ =	sdelay $0x4  }
0x246: {  	v33 =	vmul.f32 v0, v0;
	_ =	sdelay $0x1  }
0x247: {  	v1 =	vadd.f32 $1.000000000e+00, v33;
	_ =	sdelay $0x1  }
0x248: {  	v34 =	vmul.f32 $5.000000000e-01, v0;
	v35 =	vshrl.u32 v1, $0x1;
	v1 =	vmul.f32 $5.000000000e-01, v1  }
0x249: {  	v3 =	vsub.s32 $0x5F3759DF, v35  }
0x24a: {  	v2 =	vmax.f32 v34, $0.0e+00;
	v36 =	vmul.f32 v3, v1  }
0x24b: {  	v2 =	vmin.f32 v2, $1.000000000e+00  }
0x24c: {  	v40 =	vld [tilespmem:$0xA9C0];
	v37 =	vmul.f32 v2, v2;
	v4 =	vmul.f32 v3, v36  }
0x24d: {  	v43 =	vld [tilespmem:$0xC1C0]  }
0x24e: {  	v44 =	vld [tilespmem:$0xC990];
	v39 =	vmul.f32 $-1.500000000e+01, v2;
	v38 =	vmul.f32 $6.000000000e+00, v37;
	v4 =	vsub.f32 $1.500000000e+00, v4  }
0x24f: {  	v45 =	vld [tilespmem:$0xD990]  }
0x250: {  	v47 =	vld [tilespmem:$0xD1C0];
	(erf) = vrcp.f32 v0;
	v6 =	vadd.f32 v39, v38;
	v3 =	vmul.f32 v3, v4  }
0x251: {  	v41 =	vld [tilespmem:$0xB1C0]  }
0x252: {  	v46 =	vld [tilespmem:$0xB9C0];
	v2 =	vmul.f32 v37, v2;
	v42 =	vadd.f32 $1.000000000e+01, v6;
	v1 =	vmul.f32 v3, v1  }
0x253: {  	v49 =	vshll.u32 v43, $0x10;
	v12 =	vshll.u32 v44, $0x10  }
0x254: {  	v14 =	vand.u32 $0xFFFF0000, v45;
	v2 =	vmul.f32 v42, v2;
	v1 =	vmul.f32 v1, v3  }
0x255: {  	v51 =	vshll.u32 v45, $0x10;
	v16 =	vand.u32 $0xFFFF0000, v47;
	v52 =	vmul.f32 v12, v40  }
0x256: {  	v15 =	vmul.f32 v14, v41;
	v2 =	vsub.f32 $1.000000000e+00, v2;
	v1 =	vsub.f32 $1.500000000e+00, v1  }
0x257: {  	v10 =	vshll.u32 v47, $0x10;
	v53 =	vmul.f32 v51, v46;
	v7 =	vmul.f32 v16, v41  }
0x258: {  	v55 =	vmul.f32 v10, v46;
	v48 =	vsub.f32 $1.000000000e+00, v2;
	v1 =	vmul.f32 v1, v3  }
0x259: {  	v56 =	vmul.f32 v12, v49;
	v5 =	vadd.f32 v15, v52;
	v13 =	vpop (erf);
	v4 =	vmul.f32 v49, v40  }
0x25a: {  	v8 =	vand.u32 $0xFFFF0000, v44;
	v50 =	vmul.f32 v48, v13;
	v1 =	vmul.f32 v1, v2  }
0x25b: {  	v6 =	vand.u32 $0xFFFF0000, v43;
	v4 =	vadd.f32 v7, v4;
	v2 =	vadd.f32 v5, v53  }
0x25c: {  	v57 =	vmul.f32 v14, v16;
	v59 =	vadd.f32 v6, v6;
	v1 =	vadd.f32 v1, v50  }
0x25d: {  	v6 =	vmul.f32 v8, v6;
	v4 =	vadd.f32 v4, v55;
	v2 =	vmul.f32 v2, v13  }
0x25e: {  	v7 =	vadd.f32 v57, v56;
	v3 =	vmul.f32 v51, v10;
	v54 =	vmul.f32 v1, v1  }
0x25f: {  	v4 =	vmul.f32 v4, v13;
	v60 =	vmul.f32 $-3.000000000e+00, v2  }
0x260: {  	v3 =	vadd.f32 v7, v3;
	v58 =	vmul.f32 v54, v1;
	v1 =	vadd.f32 $-1.000000010e-01, v1  }
0x261: {  	v2 =	vmul.f32 v2, v59;
	v61 =	vadd.f32 $-9.999999770e-03, v54;
	v4 =	vmul.f32 v60, v4  }
0x262: {  	v1 =	vmul.f32 v1, v6  }
0x263: {  	v2 =	vmul.f32 v61, v2;
	v3 =	vadd.f32 v4, v3;
	v62 =	vadd.f32 $-1.000000050e-03, v58;
	_ =	sdelay $0x1  }
0x264: {  	v1 =	vadd.f32 v2, v1;
	v63 =	vmul.f32 v62, v3;
	_ =	sdelay $0x1  }
0x265: {  	v1 =	vadd.f32 v63, v1;
	_ =	sdelay $0x1  }
.Ltmp4:
0x266: {  	v1 =	vmul.f32 $7.199822900e+00, v1;
	(pc) =	sbr.rel @p1 .LBB2_8-.Ltmp4, $4  }
0x267: {  	s0 =	sadd.s32 s11, s7;
	vm15 =	vle.f32 v0, $1.000000000e+01  }
0x268: {  	s12 =	rddreg [dreg:$0x4];
	s0 =	sshrl.u32 s0, $0x3;
	v0 =	vnsel vm15, $0x0, v1  }
0x269: {  	s0 =	sadd.s32 s12, s0;
	s29 =	simm.s32 $0xDA00;
	[tilespmem:$0xE1C0] =	vst v0  }
0x26a: {  	[hbm4b:s0+s8] =	stream.linear.scatter [tilespmem:s29], [sflag:$0x8], $0x7D0, $0x38;
	[tilespmem:$0xE200] =	vst v63  }
0x26b: {  	s0 =	sadd.s32 s11, s24  }
0x26c: {  	s0 =	sshrl.u32 s0, $0x3  }
0x26d: {  	s28 =	sadd.s32 s3, s0  }
0x26e: {  	[tilespmem:s1], [sflag:$0x5] =	stream.linear.gather [hbm4b:s28+s8], $0x7D0, $0x38;
	[tilespmem:$0xE200] =	vst v63  }
0x26f: {  	s12 =	simm.s32 $0x91D0;
	s29 =	sadd.s32 s4, s0  }
0x270: {  	[tilespmem:s12], [sflag:$0x5] =	stream.linear.gather [hbm4b:s29+s8], $0x7D0, $0x38;
	[tilespmem:$0xE200] =	vst v63  }
0x271: {  	s14 =	simm.s32 $0x9A00;
	s13 =	sadd.s32 s2, s0  }
0x272: {  	[tilespmem:s14], [sflag:$0x6] =	stream.linear.gather [hbm4b:s13+s8], $0x7D0, $0x38;
	[tilespmem:$0xE200] =	vst v63  }
0x273: {  	s17 =	simm.s32 $0xA200;
	s16 =	sadd.s32 s9, s0  }
0x274: {  	[tilespmem:s17], [sflag:$0x6] =	stream.linear.gather [hbm4b:s16+s8], $0x7D0, $0x38;
	[tilespmem:$0xE200] =	vst v63  }
.Ltmp5:
0x275: {  	_ = 	snop;
	(pc) =	sbr.rel .LBB2_2-.Ltmp5, $4  }
0x276: {  	s26 =	sadd.s32 s18, s0;
	s28 =	simm.s32 $0xAA00  }
0x277: {  	[tilespmem:s28], [sflag:$0x6] =	stream.linear.gather [hbm4b:s26+s8], $0x7D0, $0x38;
	[tilespmem:$0xE200] =	vst v63  }
0x278: {  	s10 =	sadd.s32 $0x1, s10;
	s0 =	sadd.s32 s19, s0;
	s29 =	simm.s32 $0xB200  }
0x279: {  	[tilespmem:s29], [sflag:$0x6] =	stream.linear.gather [hbm4b:s0+s8], $0x7D0, $0x38;
	[tilespmem:$0xE200] =	vst v63  }
.LBB2_9:
0x27a: {  	_ =	sfence.sel $0x180000  }
0x27b: {  	[bflag:$0x0] =	sbarrier.arrive $0xFFFF  }
0x27c: {  	_ =	strace $0x90000047  }
0x27d: {  	s0 =	stileid.u32;
	[bflag:$0x2] =	sbarrier.arrive $0xFFFF  }
0x27e: {  	p0 =	sne.s32 s0, $0x0;
	s0 =	rddreg [dreg:$0x7]  }
0x27f: {  	s0 =	sadd.s32 @!p0 $0x100000, s0  }
0x280: {  	[sflag:s0] =	ssyncadd.tile.s32 @!p0 $0x1;
	_ =	shalt  }
.Lfunc_end2:
_tile_overlayer_lowered:
.L_overlay_start_2:
0x281: {  	(tag) =	ssettag $0x2  }
0x282: {  	s0 =	rddreg [dreg:$0x0];
	s2 =	stileid.u32  }
0x283: {  	s1 =	rddreg [dreg:$0x1];
	p0 =	sne.s32 s2, $0x0  }
0x284: {  	s3 =	rddreg [dreg:$0x2];
	[bflag:$0x3] =	sbarrier.arrive $0xFFFF;
	s2 =	simm.s32 @!p0 $0x1C09  }
0x285: {  	[timem:s3], [sflag:s2] =	dma.local @!p0 [hbm:s0], s1  }
0x286: {  	s0 =	simm.s32 @!p0 $0x9  }
0x287: {  	_ =	swait.ge @!p0 [sflag:s0], s1  }
0x288: {  	s1 =	ssub.s32 @!p0 $0x0, s1;
	[sflag:s0] =	ssyncset.done @!p0 $0x0  }
0x289: {  	[sflag:s0] =	ssyncadd.s32 @!p0 s1  }
0x28a: {  	[bflag:$0x3] =	sbarrier.arrive $0xFFFF  }
0x28b: {  	_ =	shalt  }

</sc_bundles>
